<compile_context>
chip_gen: v7x
topology: tpu7x:2x2x1
jax: 0.10.2.dev20260603
libtpu: 0.0.44.dev20260713+nightly
codegen_flags: <defaults>
</compile_context>

<pallas_src>
import functools

import jax
import jax.numpy as jnp
from jax import lax
from jax.experimental import pallas as pl
from jax.experimental.pallas import tpu as pltpu
from jax.experimental.pallas import tpu_sc as plsc

N = 10000
E = 320000
NPAD = 10240
NC = 2
NS = 16
NW = NC * NS
EPW = E // NW
C = 80
NCHUNK = EPW // C
RPT = NPAD // NS
RB = 400

_mesh = plsc.VectorSubcoreMesh(core_axis_name="c", subcore_axis_name="s")


@functools.partial(
    pl.kernel,
    mesh=_mesh,
    out_type=jax.ShapeDtypeStruct((NC, NPAD), jnp.float32),
    scratch_types=[
        pltpu.VMEM((NCHUNK, 1, C), jnp.int32),
        pltpu.VMEM((C,), jnp.float32),
        pltpu.VMEM((RPT,), jnp.float32),
        pltpu.VMEM_SHARED((NPAD,), jnp.float32),
        pltpu.SemaphoreType.DMA,
    ],
)
def _sc_degree(dst2d_hbm, out_hbm, dst_all, ones_v, buf_v, deg_sh, sem):
    c = lax.axis_index("c")
    s = lax.axis_index("s")
    wid = s * NC + c

    one16 = jnp.full((16,), 1.0, jnp.float32)
    zero16 = jnp.zeros((16,), jnp.float32)
    for j in range(C // 16):
        ones_v[pl.ds(j * 16, 16)] = one16

    def zb(i, _):
        buf_v[pl.ds(i * 16, 16)] = zero16
        return 0

    lax.fori_loop(0, RPT // 16, zb, 0)
    sl = pl.ds(s * RPT, RPT)
    pltpu.sync_copy(buf_v, deg_sh.at[sl])
    pltpu.sync_copy(dst2d_hbm.at[pl.ds(wid * NCHUNK, NCHUNK)], dst_all)
    plsc.subcore_barrier()

    def body(i, _):
        pltpu.async_copy(ones_v, deg_sh.at[dst_all.at[i, 0]], sem, add=True)
        return 0

    lax.fori_loop(0, NCHUNK, body, 0)

    def drain(i, _):
        pltpu.make_async_copy(ones_v, deg_sh.at[dst_all.at[i, 0]], sem).wait()
        return 0

    lax.fori_loop(0, NCHUNK, drain, 0)
    plsc.subcore_barrier()
    pltpu.sync_copy(deg_sh.at[sl], out_hbm.at[c, sl])


def _make_sc_scatter(D):
    @functools.partial(
        pl.kernel,
        mesh=_mesh,
        out_type=jax.ShapeDtypeStruct((NC, NPAD, D), jnp.float32),
        scratch_types=[
            pltpu.VMEM((EPW,), jnp.int32),
            pltpu.VMEM((NCHUNK, 1, C), jnp.int32),
            pltpu.VMEM((C, D), jnp.float32),
            pltpu.VMEM((C, D), jnp.float32),
            pltpu.VMEM_SHARED((NPAD, D), jnp.float32),
            pltpu.SemaphoreType.DMA,
            pltpu.SemaphoreType.DMA,
        ],
    )
    def scat(src_hbm, dst2d_hbm, z_hbm, out_hbm,
             src_all, dst_all, rows0, rows1, acc_sh, sem0, sem1):
        c = lax.axis_index("c")
        s = lax.axis_index("s")
        wid = s * NC + c
        base = wid * EPW

        zero16 = jnp.zeros((16,), jnp.float32)

        def zb(i, _):
            for j in range(D // 16):
                rows0[i, pl.ds(j * 16, 16)] = zero16
            return 0

        lax.fori_loop(0, C, zb, 0)
        for j in range(RPT // C):
            pltpu.sync_copy(rows0, acc_sh.at[pl.ds(s * RPT + j * C, C)])
        pltpu.sync_copy(src_hbm.at[pl.ds(base, EPW)], src_all)
        pltpu.sync_copy(dst2d_hbm.at[pl.ds(wid * NCHUNK, NCHUNK)], dst_all)
        plsc.subcore_barrier()

        b0 = (rows0, sem0)
        b1 = (rows1, sem1)

        def start(i, b):
            rv, sem = b
            pltpu.async_copy(z_hbm.at[src_all.at[pl.ds(i * C, C)]], rv, sem)

        def finish(i, b):
            rv, sem = b
            pltpu.make_async_copy(
                z_hbm.at[src_all.at[pl.ds(i * C, C)]], rv, sem).wait()
            pltpu.sync_copy(rv, acc_sh.at[dst_all.at[i, 0]], add=True)

        start(0, b0)

        def body(j, _):
            i = 2 * j + 1
            start(i, b1)
            finish(i - 1, b0)
            start(i + 1, b0)
            finish(i, b1)
            return 0

        lax.fori_loop(0, (NCHUNK - 1) // 2, body, 0)
        finish(NCHUNK - 1, b0)
        plsc.subcore_barrier()
        sl = pl.ds(s * RPT, RPT)
        pltpu.sync_copy(acc_sh.at[sl], out_hbm.at[c, sl])

    return scat


_sc_scatter_128 = _make_sc_scatter(128)


def _dense1m_body(x_ref, w_ref, y_ref):
    y_ref[...] = jnp.dot(x_ref[...], w_ref[...],
                         preferred_element_type=jnp.float32)


def _dense1m(x, W1):
    return pl.pallas_call(
        _dense1m_body,
        grid=(N // RB,),
        in_specs=[
            pl.BlockSpec((RB, 128), lambda i: (i, 0)),
            pl.BlockSpec((128, 128), lambda i: (0, 0)),
        ],
        out_specs=pl.BlockSpec((RB, 128), lambda i: (i, 0)),
        out_shape=jax.ShapeDtypeStruct((N, 128), jnp.float32),
    )(x, W1)


def _dense1s_body(y_ref, d0_ref, d1_ref, z_ref, dis_ref):
    deg = d0_ref[...] + d1_ref[...] + 1.0
    dis = lax.rsqrt(deg)
    dis_ref[...] = dis
    z_ref[...] = y_ref[...] * dis


def _dense1s(y, d0, d1):
    return pl.pallas_call(
        _dense1s_body,
        grid=(N // RB,),
        in_specs=[
            pl.BlockSpec((RB, 128), lambda i: (i, 0)),
            pl.BlockSpec((RB, 1), lambda i: (i, 0)),
            pl.BlockSpec((RB, 1), lambda i: (i, 0)),
        ],
        out_specs=[
            pl.BlockSpec((RB, 128), lambda i: (i, 0)),
            pl.BlockSpec((RB, 1), lambda i: (i, 0)),
        ],
        out_shape=[
            jax.ShapeDtypeStruct((N, 128), jnp.float32),
            jax.ShapeDtypeStruct((N, 1), jnp.float32),
        ],
    )(y, d0, d1)


def _dense2_body(p0_ref, p1_ref, z_ref, dis_ref, b_ref, w_ref, z2_ref):
    dis = dis_ref[...]
    h = dis * (p0_ref[0] + p1_ref[0] + z_ref[...]) + b_ref[...]
    h = jnp.maximum(h, 0.0)
    y = jnp.dot(h, w_ref[...], preferred_element_type=jnp.float32)
    z2_ref[...] = jnp.concatenate(
        [y * dis, jnp.zeros((y.shape[0], 64), jnp.float32)], axis=1)


def _dense2(s1, z1, dis, b1, W2):
    return pl.pallas_call(
        _dense2_body,
        grid=(N // RB,),
        in_specs=[
            pl.BlockSpec((1, RB, 128), lambda i: (0, i, 0)),
            pl.BlockSpec((1, RB, 128), lambda i: (1, i, 0)),
            pl.BlockSpec((RB, 128), lambda i: (i, 0)),
            pl.BlockSpec((RB, 1), lambda i: (i, 0)),
            pl.BlockSpec((1, 128), lambda i: (0, 0)),
            pl.BlockSpec((128, 64), lambda i: (0, 0)),
        ],
        out_specs=pl.BlockSpec((RB, 128), lambda i: (i, 0)),
        out_shape=jax.ShapeDtypeStruct((N, 128), jnp.float32),
    )(s1, s1, z1, dis, b1, W2)


def _dense3_body(p0_ref, p1_ref, z_ref, dis_ref, b_ref, o_ref):
    t = (p0_ref[0] + p1_ref[0] + z_ref[...])[:, :64]
    h = dis_ref[...] * t + b_ref[...]
    o_ref[...] = jnp.maximum(h, 0.0)


def _dense3(s2, z2, dis, b2):
    return pl.pallas_call(
        _dense3_body,
        grid=(N // RB,),
        in_specs=[
            pl.BlockSpec((1, RB, 128), lambda i: (0, i, 0)),
            pl.BlockSpec((1, RB, 128), lambda i: (1, i, 0)),
            pl.BlockSpec((RB, 128), lambda i: (i, 0)),
            pl.BlockSpec((RB, 1), lambda i: (i, 0)),
            pl.BlockSpec((1, 64), lambda i: (0, 0)),
        ],
        out_specs=pl.BlockSpec((RB, 64), lambda i: (i, 0)),
        out_shape=jax.ShapeDtypeStruct((N, 64), jnp.float32),
    )(s2, s2, z2, dis, b2)


def _p0(a):
    return a[:, :N]


def kernel(x, edge_index, W1, b1, W2, b2):
    src = edge_index[0].astype(jnp.int32)
    dst2d = edge_index[1].astype(jnp.int32).reshape(NW * NCHUNK, 1, C)

    y1 = _dense1m(x, W1)
    degp = _sc_degree(dst2d)
    d0 = degp[0, :N].reshape(N, 1)
    d1 = degp[1, :N].reshape(N, 1)
    z1, dis = _dense1s(y1, d0, d1)
    s1 = _sc_scatter_128(src, dst2d, z1)
    z2 = _dense2(s1, z1, dis, b1.reshape(1, 128), W2)
    s2 = _sc_scatter_128(src, dst2d, z2)
    return _dense3(s2, z2, dis, b2.reshape(1, 64))

# --- scband reference (transcript-rebuilt; emitter-appended) ---
"""Pipeline reference for scband-encoder-43130061586962 (READ-ONLY COPY).

The authoritative reference and input builder live on the scoring server;
editing this copy changes nothing except your own understanding.
"""

import jax, jax.numpy as jnp
import numpy as np

N_NODES = 10000
N_EDGES = 320000
D_IN = 128
D_HID = 128
D_OUT = 64


def gcn_conv(x, edge_index, W, b):
    # PyG GCNConv: linear transform, add self-loops, symmetric normalization, scatter-add
    N = x.shape[0]
    x = x @ W  # [N, out]
    loop = jnp.arange(N, dtype=edge_index.dtype)
    src = jnp.concatenate([edge_index[0], loop])
    dst = jnp.concatenate([edge_index[1], loop])
    deg = jnp.zeros((N,), dtype=x.dtype).at[dst].add(1.0)
    deg_inv_sqrt = jnp.where(deg > 0, deg ** -0.5, 0.0)
    norm = deg_inv_sqrt[src] * deg_inv_sqrt[dst]
    msg = x[src] * norm[:, None]
    out = jnp.zeros((N, x.shape[1]), dtype=x.dtype).at[dst].add(msg)
    return out + b


def setup_inputs(seed: int = 0) -> dict:
    key = jax.random.key(seed)
    k_x, k_e, k_w1, k_b1, k_w2, k_b2 = jax.random.split(key, 6)
    x = jax.random.normal(k_x, (N_NODES, D_IN), dtype=jnp.float32)
    edge_index = jax.random.randint(k_e, (2, N_EDGES), 0, N_NODES, dtype=jnp.int64)
    W1 = jax.random.normal(k_w1, (D_IN, D_HID), dtype=jnp.float32) * (1.0 / np.sqrt(D_IN))
    b1 = jnp.zeros((D_HID,), dtype=jnp.float32)
    W2 = jax.random.normal(k_w2, (D_HID, D_OUT), dtype=jnp.float32) * (1.0 / np.sqrt(D_HID))
    b2 = jnp.zeros((D_OUT,), dtype=jnp.float32)
    return {"x": x, "edge_index": edge_index, "W1": W1, "b1": b1, "W2": W2, "b2": b2}


def reference(x, edge_index, W1, b1, W2, b2):
    h = jax.nn.relu(gcn_conv(x, edge_index, W1, b1))
    h = jax.nn.relu(gcn_conv(h, edge_index, W2, b2))
    return h

if __name__ == "__main__":
    import jax
    _d = setup_inputs()
    print(jax.jit(kernel)(*tuple(_d.values())))

</pallas_src>

<mosaic_0001>
#map = affine_map<(d0, d1) -> (0)>
#map1 = affine_map<(d0, d1) -> (0, 0, 0)>
#map2 = affine_map<(d0, d1) -> (0, 0)>
module attributes {stable_mosaic.version = 14 : i64} {
  func.func @scat(%arg0: i32, %arg1: i32, %arg2: memref<320000xi32, #tpu.memory_space<hbm>>, %arg3: memref<4000x1x80xi32, #tpu.memory_space<hbm>>, %arg4: memref<10000x128xf32, #tpu.memory_space<hbm>>, %arg5: memref<2x10240x128xf32, #tpu.memory_space<hbm>>, %arg6: memref<10000xi32, #tpu.memory_space<vmem>>, %arg7: memref<125x1x80xi32, #tpu.memory_space<vmem>>, %arg8: memref<80x128xf32, #tpu.memory_space<vmem>>, %arg9: memref<80x128xf32, #tpu.memory_space<vmem>>, %arg10: memref<10240x128xf32, #tpu.memory_space<vmem_shared>>, %arg11: memref<!tpu.dma_semaphore, #tpu.memory_space<semaphore_mem>>, %arg12: memref<!tpu.dma_semaphore, #tpu.memory_space<semaphore_mem>>) attributes {dimension_semantics = [#tpu.dimension_semantics<core_parallel>, #tpu.dimension_semantics<subcore_parallel>], iteration_bounds = array<i64: 2, 16>, scalar_prefetch = 0 : i64, scratch_operands = 7 : i64, tpu.core_type = #tpu.core_type<sc_vector_subcore>, window_params = [{transform_indices = #map}, {transform_indices = #map1}, {transform_indices = #map2}, {transform_indices = #map1}]} {
    %mul3A = arith.constant 2 : i32
    %mul3A_0 = arith.muli %arg1, %mul3A : i32
    %add3A = arith.addi %mul3A_0, %arg0 : i32
    %mul3A_1 = arith.constant 10000 : i32
    %mul3A_2 = arith.muli %add3A, %mul3A_1 : i32
    %broadcast_in_dim3A = arith.constant 0.000000e+00 : f32
    %broadcast_in_dim3A_3 = vector.broadcast %broadcast_in_dim3A : f32 to vector<16xf32>
    %scan3A = arith.constant 0 : i32
    %scan3A_4 = arith.constant 0 : i32
    %scan3A_5 = arith.constant 80 : i32
    %scan3A_6 = arith.addi %scan3A_4, %scan3A_5 : i32
    %scan3A_7 = arith.constant 1 : i32
    %scan3A_8 = scf.for %scan3A_63 = %scan3A_4 to %scan3A_6 step %scan3A_7 iter_args(%scan3A_64 = %scan3A) -> (i32)  : i32 {
      %swap3A = arith.index_cast %scan3A_63 : i32 to index
      %swap3A_65 = arith.constant 0 : index
      %swap3A_66 = tpu.vector_load %arg8[%swap3A, %swap3A_65] {strides = array<i32>} : memref<80x128xf32, #tpu.memory_space<vmem>>, vector<1x16xf32>,
      %swap3A_67 = vector.shape_cast %swap3A_66 : vector<1x16xf32> to vector<16xf32>
      %swap3A_68 = vector.shape_cast %broadcast_in_dim3A_3 : vector<16xf32> to vector<1x16xf32>
      tpu.vector_store %arg8[%swap3A, %swap3A_65], %swap3A_68 {strides = array<i32>} : memref<80x128xf32, #tpu.memory_space<vmem>>, vector<1x16xf32>,
      %swap3A_69 = arith.index_cast %scan3A_63 : i32 to index
      %swap3A_70 = arith.constant 16 : index
      %swap3A_71 = tpu.vector_load %arg8[%swap3A_69, %swap3A_70] {strides = array<i32>} : memref<80x128xf32, #tpu.memory_space<vmem>>, vector<1x16xf32>,
      %swap3A_72 = vector.shape_cast %swap3A_71 : vector<1x16xf32> to vector<16xf32>
      %swap3A_73 = vector.shape_cast %broadcast_in_dim3A_3 : vector<16xf32> to vector<1x16xf32>
      tpu.vector_store %arg8[%swap3A_69, %swap3A_70], %swap3A_73 {strides = array<i32>} : memref<80x128xf32, #tpu.memory_space<vmem>>, vector<1x16xf32>,
      %swap3A_74 = arith.index_cast %scan3A_63 : i32 to index
      %swap3A_75 = arith.constant 32 : index
      %swap3A_76 = tpu.vector_load %arg8[%swap3A_74, %swap3A_75] {strides = array<i32>} : memref<80x128xf32, #tpu.memory_space<vmem>>, vector<1x16xf32>,
      %swap3A_77 = vector.shape_cast %swap3A_76 : vector<1x16xf32> to vector<16xf32>
      %swap3A_78 = vector.shape_cast %broadcast_in_dim3A_3 : vector<16xf32> to vector<1x16xf32>
      tpu.vector_store %arg8[%swap3A_74, %swap3A_75], %swap3A_78 {strides = array<i32>} : memref<80x128xf32, #tpu.memory_space<vmem>>, vector<1x16xf32>,
      %swap3A_79 = arith.index_cast %scan3A_63 : i32 to index
      %swap3A_80 = arith.constant 48 : index
      %swap3A_81 = tpu.vector_load %arg8[%swap3A_79, %swap3A_80] {strides = array<i32>} : memref<80x128xf32, #tpu.memory_space<vmem>>, vector<1x16xf32>,
      %swap3A_82 = vector.shape_cast %swap3A_81 : vector<1x16xf32> to vector<16xf32>
      %swap3A_83 = vector.shape_cast %broadcast_in_dim3A_3 : vector<16xf32> to vector<1x16xf32>
      tpu.vector_store %arg8[%swap3A_79, %swap3A_80], %swap3A_83 {strides = array<i32>} : memref<80x128xf32, #tpu.memory_space<vmem>>, vector<1x16xf32>,
      %swap3A_84 = arith.index_cast %scan3A_63 : i32 to index
      %swap3A_85 = arith.constant 64 : index
      %swap3A_86 = tpu.vector_load %arg8[%swap3A_84, %swap3A_85] {strides = array<i32>} : memref<80x128xf32, #tpu.memory_space<vmem>>, vector<1x16xf32>,
      %swap3A_87 = vector.shape_cast %swap3A_86 : vector<1x16xf32> to vector<16xf32>
      %swap3A_88 = vector.shape_cast %broadcast_in_dim3A_3 : vector<16xf32> to vector<1x16xf32>
      tpu.vector_store %arg8[%swap3A_84, %swap3A_85], %swap3A_88 {strides = array<i32>} : memref<80x128xf32, #tpu.memory_space<vmem>>, vector<1x16xf32>,
      %swap3A_89 = arith.index_cast %scan3A_63 : i32 to index
      %swap3A_90 = arith.constant 80 : index
      %swap3A_91 = tpu.vector_load %arg8[%swap3A_89, %swap3A_90] {strides = array<i32>} : memref<80x128xf32, #tpu.memory_space<vmem>>, vector<1x16xf32>,
      %swap3A_92 = vector.shape_cast %swap3A_91 : vector<1x16xf32> to vector<16xf32>
      %swap3A_93 = vector.shape_cast %broadcast_in_dim3A_3 : vector<16xf32> to vector<1x16xf32>
      tpu.vector_store %arg8[%swap3A_89, %swap3A_90], %swap3A_93 {strides = array<i32>} : memref<80x128xf32, #tpu.memory_space<vmem>>, vector<1x16xf32>,
      %swap3A_94 = arith.index_cast %scan3A_63 : i32 to index
      %swap3A_95 = arith.constant 96 : index
      %swap3A_96 = tpu.vector_load %arg8[%swap3A_94, %swap3A_95] {strides = array<i32>} : memref<80x128xf32, #tpu.memory_space<vmem>>, vector<1x16xf32>,
      %swap3A_97 = vector.shape_cast %swap3A_96 : vector<1x16xf32> to vector<16xf32>
      %swap3A_98 = vector.shape_cast %broadcast_in_dim3A_3 : vector<16xf32> to vector<1x16xf32>
      tpu.vector_store %arg8[%swap3A_94, %swap3A_95], %swap3A_98 {strides = array<i32>} : memref<80x128xf32, #tpu.memory_space<vmem>>, vector<1x16xf32>,
      %swap3A_99 = arith.index_cast %scan3A_63 : i32 to index
      %swap3A_100 = arith.constant 112 : index
      %swap3A_101 = tpu.vector_load %arg8[%swap3A_99, %swap3A_100] {strides = array<i32>} : memref<80x128xf32, #tpu.memory_space<vmem>>, vector<1x16xf32>,
      %swap3A_102 = vector.shape_cast %swap3A_101 : vector<1x16xf32> to vector<16xf32>
      %swap3A_103 = vector.shape_cast %broadcast_in_dim3A_3 : vector<16xf32> to vector<1x16xf32>
      tpu.vector_store %arg8[%swap3A_99, %swap3A_100], %swap3A_103 {strides = array<i32>} : memref<80x128xf32, #tpu.memory_space<vmem>>, vector<1x16xf32>,
      %scan3A_104 = arith.constant 0 : i32
      scf.yield %scan3A_104 : i32
    }
    %scan3A_9 = arith.constant 80 : i32
    %mul3A_10 = arith.constant 640 : i32
    %mul3A_11 = arith.muli %arg1, %mul3A_10 : i32
    %add3A_12 = arith.constant 0 : i32
    %add3A_13 = arith.addi %mul3A_11, %add3A_12 : i32
    "tpu.region"() ({
      %run_scoped3A_63 = tpu.sem_alloc : memref<!tpu.dma_semaphore, #tpu.memory_space<semaphore_mem>>
      %dma_start3A_64 = arith.constant 0 : i32
      %dma_start3A_65 = tpu.memref_slice %arg10[%add3A_13, %dma_start3A_64] : memref<10240x128xf32, #tpu.memory_space<vmem_shared>> -> memref<80x128xf32, #tpu.memory_space<vmem_shared>>
      %dma_start3A_66 = arith.constant 0 : i32
      %dma_start3A_67 = tpu.memref_slice %arg10[%add3A_13, %dma_start3A_66] : memref<10240x128xf32, #tpu.memory_space<vmem_shared>> -> memref<80x128xf32, #tpu.memory_space<vmem_shared>>
      tpu.enqueue_dma source(%arg8 : memref<80x128xf32, #tpu.memory_space<vmem>>) target(%dma_start3A_67 : memref<80x128xf32, #tpu.memory_space<vmem_shared>>) target_semaphore(%run_scoped3A_63 : memref<!tpu.dma_semaphore, #tpu.memory_space<semaphore_mem>>)
      %dma_wait3A_68 = arith.constant 0 : i32
      %dma_wait3A_69 = tpu.memref_slice %arg10[%add3A_13, %dma_wait3A_68] : memref<10240x128xf32, #tpu.memory_space<vmem_shared>> -> memref<80x128xf32, #tpu.memory_space<vmem_shared>>
      %dma_wait3A_70 = arith.constant 0 : i32
      %dma_wait3A_71 = tpu.memref_slice %arg10[%add3A_13, %dma_wait3A_70] : memref<10240x128xf32, #tpu.memory_space<vmem_shared>> -> memref<80x128xf32, #tpu.memory_space<vmem_shared>>
      tpu.wait_dma2 semaphore(%run_scoped3A_63 : memref<!tpu.dma_semaphore, #tpu.memory_space<semaphore_mem>>) src(%arg8 : memref<80x128xf32, #tpu.memory_space<vmem>>) dst(%dma_wait3A_71 : memref<80x128xf32, #tpu.memory_space<vmem_shared>>)
      tpu.yield
    }) : () -> ()
    %mul3A_14 = arith.constant 640 : i32
    %mul3A_15 = arith.muli %arg1, %mul3A_14 : i32
    %add3A_16 = arith.constant 80 : i32
    %add3A_17 = arith.addi %mul3A_15, %add3A_16 : i32
    "tpu.region"() ({
      %run_scoped3A_63 = tpu.sem_alloc : memref<!tpu.dma_semaphore, #tpu.memory_space<semaphore_mem>>
      %dma_start3A_64 = arith.constant 0 : i32
      %dma_start3A_65 = tpu.memref_slice %arg10[%add3A_17, %dma_start3A_64] : memref<10240x128xf32, #tpu.memory_space<vmem_shared>> -> memref<80x128xf32, #tpu.memory_space<vmem_shared>>
      %dma_start3A_66 = arith.constant 0 : i32
      %dma_start3A_67 = tpu.memref_slice %arg10[%add3A_17, %dma_start3A_66] : memref<10240x128xf32, #tpu.memory_space<vmem_shared>> -> memref<80x128xf32, #tpu.memory_space<vmem_shared>>
      tpu.enqueue_dma source(%arg8 : memref<80x128xf32, #tpu.memory_space<vmem>>) target(%dma_start3A_67 : memref<80x128xf32, #tpu.memory_space<vmem_shared>>) target_semaphore(%run_scoped3A_63 : memref<!tpu.dma_semaphore, #tpu.memory_space<semaphore_mem>>)
      %dma_wait3A_68 = arith.constant 0 : i32
      %dma_wait3A_69 = tpu.memref_slice %arg10[%add3A_17, %dma_wait3A_68] : memref<10240x128xf32, #tpu.memory_space<vmem_shared>> -> memref<80x128xf32, #tpu.memory_space<vmem_shared>>
      %dma_wait3A_70 = arith.constant 0 : i32
      %dma_wait3A_71 = tpu.memref_slice %arg10[%add3A_17, %dma_wait3A_70] : memref<10240x128xf32, #tpu.memory_space<vmem_shared>> -> memref<80x128xf32, #tpu.memory_space<vmem_shared>>
      tpu.wait_dma2 semaphore(%run_scoped3A_63 : memref<!tpu.dma_semaphore, #tpu.memory_space<semaphore_mem>>) src(%arg8 : memref<80x128xf32, #tpu.memory_space<vmem>>) dst(%dma_wait3A_71 : memref<80x128xf32, #tpu.memory_space<vmem_shared>>)
      tpu.yield
    }) : () -> ()
    %mul3A_18 = arith.constant 640 : i32
    %mul3A_19 = arith.muli %arg1, %mul3A_18 : i32
    %add3A_20 = arith.constant 160 : i32
    %add3A_21 = arith.addi %mul3A_19, %add3A_20 : i32
    "tpu.region"() ({
      %run_scoped3A_63 = tpu.sem_alloc : memref<!tpu.dma_semaphore, #tpu.memory_space<semaphore_mem>>
      %dma_start3A_64 = arith.constant 0 : i32
      %dma_start3A_65 = tpu.memref_slice %arg10[%add3A_21, %dma_start3A_64] : memref<10240x128xf32, #tpu.memory_space<vmem_shared>> -> memref<80x128xf32, #tpu.memory_space<vmem_shared>>
      %dma_start3A_66 = arith.constant 0 : i32
      %dma_start3A_67 = tpu.memref_slice %arg10[%add3A_21, %dma_start3A_66] : memref<10240x128xf32, #tpu.memory_space<vmem_shared>> -> memref<80x128xf32, #tpu.memory_space<vmem_shared>>
      tpu.enqueue_dma source(%arg8 : memref<80x128xf32, #tpu.memory_space<vmem>>) target(%dma_start3A_67 : memref<80x128xf32, #tpu.memory_space<vmem_shared>>) target_semaphore(%run_scoped3A_63 : memref<!tpu.dma_semaphore, #tpu.memory_space<semaphore_mem>>)
      %dma_wait3A_68 = arith.constant 0 : i32
      %dma_wait3A_69 = tpu.memref_slice %arg10[%add3A_21, %dma_wait3A_68] : memref<10240x128xf32, #tpu.memory_space<vmem_shared>> -> memref<80x128xf32, #tpu.memory_space<vmem_shared>>
      %dma_wait3A_70 = arith.constant 0 : i32
      %dma_wait3A_71 = tpu.memref_slice %arg10[%add3A_21, %dma_wait3A_70] : memref<10240x128xf32, #tpu.memory_space<vmem_shared>> -> memref<80x128xf32, #tpu.memory_space<vmem_shared>>
      tpu.wait_dma2 semaphore(%run_scoped3A_63 : memref<!tpu.dma_semaphore, #tpu.memory_space<semaphore_mem>>) src(%arg8 : memref<80x128xf32, #tpu.memory_space<vmem>>) dst(%dma_wait3A_71 : memref<80x128xf32, #tpu.memory_space<vmem_shared>>)
      tpu.yield
    }) : () -> ()
    %mul3A_22 = arith.constant 640 : i32
    %mul3A_23 = arith.muli %arg1, %mul3A_22 : i32
    %add3A_24 = arith.constant 240 : i32
    %add3A_25 = arith.addi %mul3A_23, %add3A_24 : i32
    "tpu.region"() ({
      %run_scoped3A_63 = tpu.sem_alloc : memref<!tpu.dma_semaphore, #tpu.memory_space<semaphore_mem>>
      %dma_start3A_64 = arith.constant 0 : i32
      %dma_start3A_65 = tpu.memref_slice %arg10[%add3A_25, %dma_start3A_64] : memref<10240x128xf32, #tpu.memory_space<vmem_shared>> -> memref<80x128xf32, #tpu.memory_space<vmem_shared>>
      %dma_start3A_66 = arith.constant 0 : i32
      %dma_start3A_67 = tpu.memref_slice %arg10[%add3A_25, %dma_start3A_66] : memref<10240x128xf32, #tpu.memory_space<vmem_shared>> -> memref<80x128xf32, #tpu.memory_space<vmem_shared>>
      tpu.enqueue_dma source(%arg8 : memref<80x128xf32, #tpu.memory_space<vmem>>) target(%dma_start3A_67 : memref<80x128xf32, #tpu.memory_space<vmem_shared>>) target_semaphore(%run_scoped3A_63 : memref<!tpu.dma_semaphore, #tpu.memory_space<semaphore_mem>>)
      %dma_wait3A_68 = arith.constant 0 : i32
      %dma_wait3A_69 = tpu.memref_slice %arg10[%add3A_25, %dma_wait3A_68] : memref<10240x128xf32, #tpu.memory_space<vmem_shared>> -> memref<80x128xf32, #tpu.memory_space<vmem_shared>>
      %dma_wait3A_70 = arith.constant 0 : i32
      %dma_wait3A_71 = tpu.memref_slice %arg10[%add3A_25, %dma_wait3A_70] : memref<10240x128xf32, #tpu.memory_space<vmem_shared>> -> memref<80x128xf32, #tpu.memory_space<vmem_shared>>
      tpu.wait_dma2 semaphore(%run_scoped3A_63 : memref<!tpu.dma_semaphore, #tpu.memory_space<semaphore_mem>>) src(%arg8 : memref<80x128xf32, #tpu.memory_space<vmem>>) dst(%dma_wait3A_71 : memref<80x128xf32, #tpu.memory_space<vmem_shared>>)
      tpu.yield
    }) : () -> ()
    %mul3A_26 = arith.constant 640 : i32
    %mul3A_27 = arith.muli %arg1, %mul3A_26 : i32
    %add3A_28 = arith.constant 320 : i32
    %add3A_29 = arith.addi %mul3A_27, %add3A_28 : i32
    "tpu.region"() ({
      %run_scoped3A_63 = tpu.sem_alloc : memref<!tpu.dma_semaphore, #tpu.memory_space<semaphore_mem>>
      %dma_start3A_64 = arith.constant 0 : i32
      %dma_start3A_65 = tpu.memref_slice %arg10[%add3A_29, %dma_start3A_64] : memref<10240x128xf32, #tpu.memory_space<vmem_shared>> -> memref<80x128xf32, #tpu.memory_space<vmem_shared>>
      %dma_start3A_66 = arith.constant 0 : i32
      %dma_start3A_67 = tpu.memref_slice %arg10[%add3A_29, %dma_start3A_66] : memref<10240x128xf32, #tpu.memory_space<vmem_shared>> -> memref<80x128xf32, #tpu.memory_space<vmem_shared>>
      tpu.enqueue_dma source(%arg8 : memref<80x128xf32, #tpu.memory_space<vmem>>) target(%dma_start3A_67 : memref<80x128xf32, #tpu.memory_space<vmem_shared>>) target_semaphore(%run_scoped3A_63 : memref<!tpu.dma_semaphore, #tpu.memory_space<semaphore_mem>>)
      %dma_wait3A_68 = arith.constant 0 : i32
      %dma_wait3A_69 = tpu.memref_slice %arg10[%add3A_29, %dma_wait3A_68] : memref<10240x128xf32, #tpu.memory_space<vmem_shared>> -> memref<80x128xf32, #tpu.memory_space<vmem_shared>>
      %dma_wait3A_70 = arith.constant 0 : i32
      %dma_wait3A_71 = tpu.memref_slice %arg10[%add3A_29, %dma_wait3A_70] : memref<10240x128xf32, #tpu.memory_space<vmem_shared>> -> memref<80x128xf32, #tpu.memory_space<vmem_shared>>
      tpu.wait_dma2 semaphore(%run_scoped3A_63 : memref<!tpu.dma_semaphore, #tpu.memory_space<semaphore_mem>>) src(%arg8 : memref<80x128xf32, #tpu.memory_space<vmem>>) dst(%dma_wait3A_71 : memref<80x128xf32, #tpu.memory_space<vmem_shared>>)
      tpu.yield
    }) : () -> ()
    %mul3A_30 = arith.constant 640 : i32
    %mul3A_31 = arith.muli %arg1, %mul3A_30 : i32
    %add3A_32 = arith.constant 400 : i32
    %add3A_33 = arith.addi %mul3A_31, %add3A_32 : i32
    "tpu.region"() ({
      %run_scoped3A_63 = tpu.sem_alloc : memref<!tpu.dma_semaphore, #tpu.memory_space<semaphore_mem>>
      %dma_start3A_64 = arith.constant 0 : i32
      %dma_start3A_65 = tpu.memref_slice %arg10[%add3A_33, %dma_start3A_64] : memref<10240x128xf32, #tpu.memory_space<vmem_shared>> -> memref<80x128xf32, #tpu.memory_space<vmem_shared>>
      %dma_start3A_66 = arith.constant 0 : i32
      %dma_start3A_67 = tpu.memref_slice %arg10[%add3A_33, %dma_start3A_66] : memref<10240x128xf32, #tpu.memory_space<vmem_shared>> -> memref<80x128xf32, #tpu.memory_space<vmem_shared>>
      tpu.enqueue_dma source(%arg8 : memref<80x128xf32, #tpu.memory_space<vmem>>) target(%dma_start3A_67 : memref<80x128xf32, #tpu.memory_space<vmem_shared>>) target_semaphore(%run_scoped3A_63 : memref<!tpu.dma_semaphore, #tpu.memory_space<semaphore_mem>>)
      %dma_wait3A_68 = arith.constant 0 : i32
      %dma_wait3A_69 = tpu.memref_slice %arg10[%add3A_33, %dma_wait3A_68] : memref<10240x128xf32, #tpu.memory_space<vmem_shared>> -> memref<80x128xf32, #tpu.memory_space<vmem_shared>>
      %dma_wait3A_70 = arith.constant 0 : i32
      %dma_wait3A_71 = tpu.memref_slice %arg10[%add3A_33, %dma_wait3A_70] : memref<10240x128xf32, #tpu.memory_space<vmem_shared>> -> memref<80x128xf32, #tpu.memory_space<vmem_shared>>
      tpu.wait_dma2 semaphore(%run_scoped3A_63 : memref<!tpu.dma_semaphore, #tpu.memory_space<semaphore_mem>>) src(%arg8 : memref<80x128xf32, #tpu.memory_space<vmem>>) dst(%dma_wait3A_71 : memref<80x128xf32, #tpu.memory_space<vmem_shared>>)
      tpu.yield
    }) : () -> ()
    %mul3A_34 = arith.constant 640 : i32
    %mul3A_35 = arith.muli %arg1, %mul3A_34 : i32
    %add3A_36 = arith.constant 480 : i32
    %add3A_37 = arith.addi %mul3A_35, %add3A_36 : i32
    "tpu.region"() ({
      %run_scoped3A_63 = tpu.sem_alloc : memref<!tpu.dma_semaphore, #tpu.memory_space<semaphore_mem>>
      %dma_start3A_64 = arith.constant 0 : i32
      %dma_start3A_65 = tpu.memref_slice %arg10[%add3A_37, %dma_start3A_64] : memref<10240x128xf32, #tpu.memory_space<vmem_shared>> -> memref<80x128xf32, #tpu.memory_space<vmem_shared>>
      %dma_start3A_66 = arith.constant 0 : i32
      %dma_start3A_67 = tpu.memref_slice %arg10[%add3A_37, %dma_start3A_66] : memref<10240x128xf32, #tpu.memory_space<vmem_shared>> -> memref<80x128xf32, #tpu.memory_space<vmem_shared>>
      tpu.enqueue_dma source(%arg8 : memref<80x128xf32, #tpu.memory_space<vmem>>) target(%dma_start3A_67 : memref<80x128xf32, #tpu.memory_space<vmem_shared>>) target_semaphore(%run_scoped3A_63 : memref<!tpu.dma_semaphore, #tpu.memory_space<semaphore_mem>>)
      %dma_wait3A_68 = arith.constant 0 : i32
      %dma_wait3A_69 = tpu.memref_slice %arg10[%add3A_37, %dma_wait3A_68] : memref<10240x128xf32, #tpu.memory_space<vmem_shared>> -> memref<80x128xf32, #tpu.memory_space<vmem_shared>>
      %dma_wait3A_70 = arith.constant 0 : i32
      %dma_wait3A_71 = tpu.memref_slice %arg10[%add3A_37, %dma_wait3A_70] : memref<10240x128xf32, #tpu.memory_space<vmem_shared>> -> memref<80x128xf32, #tpu.memory_space<vmem_shared>>
      tpu.wait_dma2 semaphore(%run_scoped3A_63 : memref<!tpu.dma_semaphore, #tpu.memory_space<semaphore_mem>>) src(%arg8 : memref<80x128xf32, #tpu.memory_space<vmem>>) dst(%dma_wait3A_71 : memref<80x128xf32, #tpu.memory_space<vmem_shared>>)
      tpu.yield
    }) : () -> ()
    %mul3A_38 = arith.constant 640 : i32
    %mul3A_39 = arith.muli %arg1, %mul3A_38 : i32
    %add3A_40 = arith.constant 560 : i32
    %add3A_41 = arith.addi %mul3A_39, %add3A_40 : i32
    "tpu.region"() ({
      %run_scoped3A_63 = tpu.sem_alloc : memref<!tpu.dma_semaphore, #tpu.memory_space<semaphore_mem>>
      %dma_start3A_64 = arith.constant 0 : i32
      %dma_start3A_65 = tpu.memref_slice %arg10[%add3A_41, %dma_start3A_64] : memref<10240x128xf32, #tpu.memory_space<vmem_shared>> -> memref<80x128xf32, #tpu.memory_space<vmem_shared>>
      %dma_start3A_66 = arith.constant 0 : i32
      %dma_start3A_67 = tpu.memref_slice %arg10[%add3A_41, %dma_start3A_66] : memref<10240x128xf32, #tpu.memory_space<vmem_shared>> -> memref<80x128xf32, #tpu.memory_space<vmem_shared>>
      tpu.enqueue_dma source(%arg8 : memref<80x128xf32, #tpu.memory_space<vmem>>) target(%dma_start3A_67 : memref<80x128xf32, #tpu.memory_space<vmem_shared>>) target_semaphore(%run_scoped3A_63 : memref<!tpu.dma_semaphore, #tpu.memory_space<semaphore_mem>>)
      %dma_wait3A_68 = arith.constant 0 : i32
      %dma_wait3A_69 = tpu.memref_slice %arg10[%add3A_41, %dma_wait3A_68] : memref<10240x128xf32, #tpu.memory_space<vmem_shared>> -> memref<80x128xf32, #tpu.memory_space<vmem_shared>>
      %dma_wait3A_70 = arith.constant 0 : i32
      %dma_wait3A_71 = tpu.memref_slice %arg10[%add3A_41, %dma_wait3A_70] : memref<10240x128xf32, #tpu.memory_space<vmem_shared>> -> memref<80x128xf32, #tpu.memory_space<vmem_shared>>
      tpu.wait_dma2 semaphore(%run_scoped3A_63 : memref<!tpu.dma_semaphore, #tpu.memory_space<semaphore_mem>>) src(%arg8 : memref<80x128xf32, #tpu.memory_space<vmem>>) dst(%dma_wait3A_71 : memref<80x128xf32, #tpu.memory_space<vmem_shared>>)
      tpu.yield
    }) : () -> ()
    "tpu.region"() ({
      %run_scoped3A_63 = tpu.sem_alloc : memref<!tpu.dma_semaphore, #tpu.memory_space<semaphore_mem>>
      %dma_start3A_64 = tpu.memref_slice %arg2[%mul3A_2] : memref<320000xi32, #tpu.memory_space<hbm>> -> memref<10000xi32, #tpu.memory_space<hbm>>
      %dma_start3A_65 = tpu.memref_slice %arg2[%mul3A_2] : memref<320000xi32, #tpu.memory_space<hbm>> -> memref<10000xi32, #tpu.memory_space<hbm>>
      tpu.enqueue_dma source(%dma_start3A_65 : memref<10000xi32, #tpu.memory_space<hbm>>) target(%arg6 : memref<10000xi32, #tpu.memory_space<vmem>>) target_semaphore(%run_scoped3A_63 : memref<!tpu.dma_semaphore, #tpu.memory_space<semaphore_mem>>)
      %dma_wait3A_66 = tpu.memref_slice %arg2[%mul3A_2] : memref<320000xi32, #tpu.memory_space<hbm>> -> memref<10000xi32, #tpu.memory_space<hbm>>
      %dma_wait3A_67 = tpu.memref_slice %arg2[%mul3A_2] : memref<320000xi32, #tpu.memory_space<hbm>> -> memref<10000xi32, #tpu.memory_space<hbm>>
      tpu.wait_dma2 semaphore(%run_scoped3A_63 : memref<!tpu.dma_semaphore, #tpu.memory_space<semaphore_mem>>) src(%dma_wait3A_67 : memref<10000xi32, #tpu.memory_space<hbm>>) dst(%arg6 : memref<10000xi32, #tpu.memory_space<vmem>>)
      tpu.yield
    }) : () -> ()
    %mul3A_42 = arith.constant 125 : i32
    %mul3A_43 = arith.muli %add3A, %mul3A_42 : i32
    "tpu.region"() ({
      %run_scoped3A_63 = tpu.sem_alloc : memref<!tpu.dma_semaphore, #tpu.memory_space<semaphore_mem>>
      %dma_start3A_64 = arith.constant 0 : i32
      %dma_start3A_65 = arith.constant 0 : i32
      %dma_start3A_66 = tpu.memref_slice %arg3[%mul3A_43, %dma_start3A_64, %dma_start3A_65] : memref<4000x1x80xi32, #tpu.memory_space<hbm>> -> memref<125x1x80xi32, #tpu.memory_space<hbm>>
      %dma_start3A_67 = arith.constant 0 : i32
      %dma_start3A_68 = arith.constant 0 : i32
      %dma_start3A_69 = tpu.memref_slice %arg3[%mul3A_43, %dma_start3A_67, %dma_start3A_68] : memref<4000x1x80xi32, #tpu.memory_space<hbm>> -> memref<125x1x80xi32, #tpu.memory_space<hbm>>
      tpu.enqueue_dma source(%dma_start3A_69 : memref<125x1x80xi32, #tpu.memory_space<hbm>>) target(%arg7 : memref<125x1x80xi32, #tpu.memory_space<vmem>>) target_semaphore(%run_scoped3A_63 : memref<!tpu.dma_semaphore, #tpu.memory_space<semaphore_mem>>)
      %dma_wait3A_70 = arith.constant 0 : i32
      %dma_wait3A_71 = arith.constant 0 : i32
      %dma_wait3A_72 = tpu.memref_slice %arg3[%mul3A_43, %dma_wait3A_70, %dma_wait3A_71] : memref<4000x1x80xi32, #tpu.memory_space<hbm>> -> memref<125x1x80xi32, #tpu.memory_space<hbm>>
      %dma_wait3A_73 = arith.constant 0 : i32
      %dma_wait3A_74 = arith.constant 0 : i32
      %dma_wait3A_75 = tpu.memref_slice %arg3[%mul3A_43, %dma_wait3A_73, %dma_wait3A_74] : memref<4000x1x80xi32, #tpu.memory_space<hbm>> -> memref<125x1x80xi32, #tpu.memory_space<hbm>>
      tpu.wait_dma2 semaphore(%run_scoped3A_63 : memref<!tpu.dma_semaphore, #tpu.memory_space<semaphore_mem>>) src(%dma_wait3A_75 : memref<125x1x80xi32, #tpu.memory_space<hbm>>) dst(%arg7 : memref<125x1x80xi32, #tpu.memory_space<vmem>>)
      tpu.yield
    }) : () -> ()
    %barrier3A = arith.constant 0 : index
    tpu.barrier barrier_id(%barrier3A)
    %dma_start3A = arith.constant 0 : i32
    %dma_start3A_44 = tpu.memref_slice %arg6[%dma_start3A] : memref<10000xi32, #tpu.memory_space<vmem>> -> memref<80xi32, #tpu.memory_space<vmem>>
    %dma_start3A_45 = arith.constant 0 : i32
    %dma_start3A_46 = arith.constant 0 : i32
    %dma_start3A_47 = tpu.memref_slice %arg4[%dma_start3A_45, %dma_start3A_46] : memref<10000x128xf32, #tpu.memory_space<hbm>> -> memref<10000x128xf32, #tpu.memory_space<hbm>>
    tpu.enqueue_indirect_dma source(%dma_start3A_47 : memref<10000x128xf32, #tpu.memory_space<hbm>>) target(%arg8 : memref<80x128xf32, #tpu.memory_space<vmem>>) offsets(%dma_start3A_44 : memref<80xi32, #tpu.memory_space<vmem>>) semaphore(%arg11 : memref<!tpu.dma_semaphore, #tpu.memory_space<semaphore_mem>>)
    %scan3A_48 = arith.constant 0 : i32
    %scan3A_49 = arith.constant 0 : i32
    %scan3A_50 = arith.constant 62 : i32
    %scan3A_51 = arith.addi %scan3A_49, %scan3A_50 : i32
    %scan3A_52 = arith.constant 1 : i32
    %scan3A_53 = scf.for %scan3A_63 = %scan3A_49 to %scan3A_51 step %scan3A_52 iter_args(%scan3A_64 = %scan3A_48) -> (i32)  : i32 {
      %mul3A_65 = arith.constant 2 : i32
      %mul3A_66 = arith.muli %mul3A_65, %scan3A_63 : i32
      %add3A_67 = arith.constant 1 : i32
      %add3A_68 = arith.addi %mul3A_66, %add3A_67 : i32
      %mul3A_69 = arith.constant 80 : i32
      %mul3A_70 = arith.muli %add3A_68, %mul3A_69 : i32
      %dma_start3A_71 = tpu.memref_slice %arg6[%mul3A_70] : memref<10000xi32, #tpu.memory_space<vmem>> -> memref<80xi32, #tpu.memory_space<vmem>>
      %dma_start3A_72 = arith.constant 0 : i32
      %dma_start3A_73 = arith.constant 0 : i32
      %dma_start3A_74 = tpu.memref_slice %arg4[%dma_start3A_72, %dma_start3A_73] : memref<10000x128xf32, #tpu.memory_space<hbm>> -> memref<10000x128xf32, #tpu.memory_space<hbm>>
      tpu.enqueue_indirect_dma source(%dma_start3A_74 : memref<10000x128xf32, #tpu.memory_space<hbm>>) target(%arg9 : memref<80x128xf32, #tpu.memory_space<vmem>>) offsets(%dma_start3A_71 : memref<80xi32, #tpu.memory_space<vmem>>) semaphore(%arg12 : memref<!tpu.dma_semaphore, #tpu.memory_space<semaphore_mem>>)
      %sub3A = arith.constant 1 : i32
      %sub3A_75 = arith.subi %add3A_68, %sub3A : i32
      %mul3A_76 = arith.constant 80 : i32
      %mul3A_77 = arith.muli %sub3A_75, %mul3A_76 : i32
      %dma_wait3A_78 = tpu.memref_slice %arg6[%mul3A_77] : memref<10000xi32, #tpu.memory_space<vmem>> -> memref<80xi32, #tpu.memory_space<vmem>>
      %dma_wait3A_79 = arith.constant 0 : i32
      %dma_wait3A_80 = arith.constant 0 : i32
      %dma_wait3A_81 = tpu.memref_slice %arg4[%dma_wait3A_79, %dma_wait3A_80] : memref<10000x128xf32, #tpu.memory_space<hbm>> -> memref<10000x128xf32, #tpu.memory_space<hbm>>
      tpu.wait_indirect_dma semaphore(%arg11 : memref<!tpu.dma_semaphore, #tpu.memory_space<semaphore_mem>>) src(%dma_wait3A_81 : memref<10000x128xf32, #tpu.memory_space<hbm>>) dst(%arg8 : memref<80x128xf32, #tpu.memory_space<vmem>>)
      %run_scoped3A_82 = arith.constant 0 : i32
      "tpu.region"() ({
        %run_scoped3A_99 = tpu.sem_alloc : memref<!tpu.dma_semaphore, #tpu.memory_space<semaphore_mem>>
        %dma_start3A_100 = arith.constant 0 : i32
        %dma_start3A_101 = tpu.memref_slice %arg7[%sub3A_75, %run_scoped3A_82, %dma_start3A_100] : memref<125x1x80xi32, #tpu.memory_space<vmem>> -> memref<1x1x80xi32, #tpu.memory_space<vmem>>
        %dma_start3A_102 = tpu.memref_squeeze %dma_start3A_101 : memref<1x1x80xi32, #tpu.memory_space<vmem>> -> memref<80xi32, #tpu.memory_space<vmem>>
        %dma_start3A_103 = arith.constant 0 : i32
        %dma_start3A_104 = arith.constant 0 : i32
        %dma_start3A_105 = tpu.memref_slice %arg10[%dma_start3A_103, %dma_start3A_104] : memref<10240x128xf32, #tpu.memory_space<vmem_shared>> -> memref<10240x128xf32, #tpu.memory_space<vmem_shared>>
        tpu.enqueue_indirect_dma source(%arg8 : memref<80x128xf32, #tpu.memory_space<vmem>>) target(%dma_start3A_105 : memref<10240x128xf32, #tpu.memory_space<vmem_shared>>) offsets(%dma_start3A_102 : memref<80xi32, #tpu.memory_space<vmem>>) semaphore(%run_scoped3A_99 : memref<!tpu.dma_semaphore, #tpu.memory_space<semaphore_mem>>) {add = true}
        %dma_wait3A_106 = arith.constant 0 : i32
        %dma_wait3A_107 = tpu.memref_slice %arg7[%sub3A_75, %run_scoped3A_82, %dma_wait3A_106] : memref<125x1x80xi32, #tpu.memory_space<vmem>> -> memref<1x1x80xi32, #tpu.memory_space<vmem>>
        %dma_wait3A_108 = tpu.memref_squeeze %dma_wait3A_107 : memref<1x1x80xi32, #tpu.memory_space<vmem>> -> memref<80xi32, #tpu.memory_space<vmem>>
        %dma_wait3A_109 = arith.constant 0 : i32
        %dma_wait3A_110 = arith.constant 0 : i32
        %dma_wait3A_111 = tpu.memref_slice %arg10[%dma_wait3A_109, %dma_wait3A_110] : memref<10240x128xf32, #tpu.memory_space<vmem_shared>> -> memref<10240x128xf32, #tpu.memory_space<vmem_shared>>
        tpu.wait_indirect_dma semaphore(%run_scoped3A_99 : memref<!tpu.dma_semaphore, #tpu.memory_space<semaphore_mem>>) src(%arg8 : memref<80x128xf32, #tpu.memory_space<vmem>>) dst(%dma_wait3A_111 : memref<10240x128xf32, #tpu.memory_space<vmem_shared>>)
        tpu.yield
      }) : () -> ()
      %add3A_83 = arith.constant 1 : i32
      %add3A_84 = arith.addi %add3A_68, %add3A_83 : i32
      %mul3A_85 = arith.constant 80 : i32
      %mul3A_86 = arith.muli %add3A_84, %mul3A_85 : i32
      %dma_start3A_87 = tpu.memref_slice %arg6[%mul3A_86] : memref<10000xi32, #tpu.memory_space<vmem>> -> memref<80xi32, #tpu.memory_space<vmem>>
      %dma_start3A_88 = arith.constant 0 : i32
      %dma_start3A_89 = arith.constant 0 : i32
      %dma_start3A_90 = tpu.memref_slice %arg4[%dma_start3A_88, %dma_start3A_89] : memref<10000x128xf32, #tpu.memory_space<hbm>> -> memref<10000x128xf32, #tpu.memory_space<hbm>>
      tpu.enqueue_indirect_dma source(%dma_start3A_90 : memref<10000x128xf32, #tpu.memory_space<hbm>>) target(%arg8 : memref<80x128xf32, #tpu.memory_space<vmem>>) offsets(%dma_start3A_87 : memref<80xi32, #tpu.memory_space<vmem>>) semaphore(%arg11 : memref<!tpu.dma_semaphore, #tpu.memory_space<semaphore_mem>>)
      %mul3A_91 = arith.constant 80 : i32
      %mul3A_92 = arith.muli %add3A_68, %mul3A_91 : i32
      %dma_wait3A_93 = tpu.memref_slice %arg6[%mul3A_92] : memref<10000xi32, #tpu.memory_space<vmem>> -> memref<80xi32, #tpu.memory_space<vmem>>
      %dma_wait3A_94 = arith.constant 0 : i32
      %dma_wait3A_95 = arith.constant 0 : i32
      %dma_wait3A_96 = tpu.memref_slice %arg4[%dma_wait3A_94, %dma_wait3A_95] : memref<10000x128xf32, #tpu.memory_space<hbm>> -> memref<10000x128xf32, #tpu.memory_space<hbm>>
      tpu.wait_indirect_dma semaphore(%arg12 : memref<!tpu.dma_semaphore, #tpu.memory_space<semaphore_mem>>) src(%dma_wait3A_96 : memref<10000x128xf32, #tpu.memory_space<hbm>>) dst(%arg9 : memref<80x128xf32, #tpu.memory_space<vmem>>)
      %run_scoped3A_97 = arith.constant 0 : i32
      "tpu.region"() ({
        %run_scoped3A_99 = tpu.sem_alloc : memref<!tpu.dma_semaphore, #tpu.memory_space<semaphore_mem>>
        %dma_start3A_100 = arith.constant 0 : i32
        %dma_start3A_101 = tpu.memref_slice %arg7[%add3A_68, %run_scoped3A_97, %dma_start3A_100] : memref<125x1x80xi32, #tpu.memory_space<vmem>> -> memref<1x1x80xi32, #tpu.memory_space<vmem>>
        %dma_start3A_102 = tpu.memref_squeeze %dma_start3A_101 : memref<1x1x80xi32, #tpu.memory_space<vmem>> -> memref<80xi32, #tpu.memory_space<vmem>>
        %dma_start3A_103 = arith.constant 0 : i32
        %dma_start3A_104 = arith.constant 0 : i32
        %dma_start3A_105 = tpu.memref_slice %arg10[%dma_start3A_103, %dma_start3A_104] : memref<10240x128xf32, #tpu.memory_space<vmem_shared>> -> memref<10240x128xf32, #tpu.memory_space<vmem_shared>>
        tpu.enqueue_indirect_dma source(%arg9 : memref<80x128xf32, #tpu.memory_space<vmem>>) target(%dma_start3A_105 : memref<10240x128xf32, #tpu.memory_space<vmem_shared>>) offsets(%dma_start3A_102 : memref<80xi32, #tpu.memory_space<vmem>>) semaphore(%run_scoped3A_99 : memref<!tpu.dma_semaphore, #tpu.memory_space<semaphore_mem>>) {add = true}
        %dma_wait3A_106 = arith.constant 0 : i32
        %dma_wait3A_107 = tpu.memref_slice %arg7[%add3A_68, %run_scoped3A_97, %dma_wait3A_106] : memref<125x1x80xi32, #tpu.memory_space<vmem>> -> memref<1x1x80xi32, #tpu.memory_space<vmem>>
        %dma_wait3A_108 = tpu.memref_squeeze %dma_wait3A_107 : memref<1x1x80xi32, #tpu.memory_space<vmem>> -> memref<80xi32, #tpu.memory_space<vmem>>
        %dma_wait3A_109 = arith.constant 0 : i32
        %dma_wait3A_110 = arith.constant 0 : i32
        %dma_wait3A_111 = tpu.memref_slice %arg10[%dma_wait3A_109, %dma_wait3A_110] : memref<10240x128xf32, #tpu.memory_space<vmem_shared>> -> memref<10240x128xf32, #tpu.memory_space<vmem_shared>>
        tpu.wait_indirect_dma semaphore(%run_scoped3A_99 : memref<!tpu.dma_semaphore, #tpu.memory_space<semaphore_mem>>) src(%arg9 : memref<80x128xf32, #tpu.memory_space<vmem>>) dst(%dma_wait3A_111 : memref<10240x128xf32, #tpu.memory_space<vmem_shared>>)
        tpu.yield
      }) : () -> ()
      %scan3A_98 = arith.constant 0 : i32
      scf.yield %scan3A_98 : i32
    }
    %scan3A_54 = arith.constant 62 : i32
    %dma_wait3A = arith.constant 9920 : i32
    %dma_wait3A_55 = tpu.memref_slice %arg6[%dma_wait3A] : memref<10000xi32, #tpu.memory_space<vmem>> -> memref<80xi32, #tpu.memory_space<vmem>>
    %dma_wait3A_56 = arith.constant 0 : i32
    %dma_wait3A_57 = arith.constant 0 : i32
    %dma_wait3A_58 = tpu.memref_slice %arg4[%dma_wait3A_56, %dma_wait3A_57] : memref<10000x128xf32, #tpu.memory_space<hbm>> -> memref<10000x128xf32, #tpu.memory_space<hbm>>
    tpu.wait_indirect_dma semaphore(%arg11 : memref<!tpu.dma_semaphore, #tpu.memory_space<semaphore_mem>>) src(%dma_wait3A_58 : memref<10000x128xf32, #tpu.memory_space<hbm>>) dst(%arg8 : memref<80x128xf32, #tpu.memory_space<vmem>>)
    %run_scoped3A = arith.constant 124 : i32
    %run_scoped3A_59 = arith.constant 0 : i32
    "tpu.region"() ({
      %run_scoped3A_63 = tpu.sem_alloc : memref<!tpu.dma_semaphore, #tpu.memory_space<semaphore_mem>>
      %dma_start3A_64 = arith.constant 0 : i32
      %dma_start3A_65 = tpu.memref_slice %arg7[%run_scoped3A, %run_scoped3A_59, %dma_start3A_64] : memref<125x1x80xi32, #tpu.memory_space<vmem>> -> memref<1x1x80xi32, #tpu.memory_space<vmem>>
      %dma_start3A_66 = tpu.memref_squeeze %dma_start3A_65 : memref<1x1x80xi32, #tpu.memory_space<vmem>> -> memref<80xi32, #tpu.memory_space<vmem>>
      %dma_start3A_67 = arith.constant 0 : i32
      %dma_start3A_68 = arith.constant 0 : i32
      %dma_start3A_69 = tpu.memref_slice %arg10[%dma_start3A_67, %dma_start3A_68] : memref<10240x128xf32, #tpu.memory_space<vmem_shared>> -> memref<10240x128xf32, #tpu.memory_space<vmem_shared>>
      tpu.enqueue_indirect_dma source(%arg8 : memref<80x128xf32, #tpu.memory_space<vmem>>) target(%dma_start3A_69 : memref<10240x128xf32, #tpu.memory_space<vmem_shared>>) offsets(%dma_start3A_66 : memref<80xi32, #tpu.memory_space<vmem>>) semaphore(%run_scoped3A_63 : memref<!tpu.dma_semaphore, #tpu.memory_space<semaphore_mem>>) {add = true}
      %dma_wait3A_70 = arith.constant 0 : i32
      %dma_wait3A_71 = tpu.memref_slice %arg7[%run_scoped3A, %run_scoped3A_59, %dma_wait3A_70] : memref<125x1x80xi32, #tpu.memory_space<vmem>> -> memref<1x1x80xi32, #tpu.memory_space<vmem>>
      %dma_wait3A_72 = tpu.memref_squeeze %dma_wait3A_71 : memref<1x1x80xi32, #tpu.memory_space<vmem>> -> memref<80xi32, #tpu.memory_space<vmem>>
      %dma_wait3A_73 = arith.constant 0 : i32
      %dma_wait3A_74 = arith.constant 0 : i32
      %dma_wait3A_75 = tpu.memref_slice %arg10[%dma_wait3A_73, %dma_wait3A_74] : memref<10240x128xf32, #tpu.memory_space<vmem_shared>> -> memref<10240x128xf32, #tpu.memory_space<vmem_shared>>
      tpu.wait_indirect_dma semaphore(%run_scoped3A_63 : memref<!tpu.dma_semaphore, #tpu.memory_space<semaphore_mem>>) src(%arg8 : memref<80x128xf32, #tpu.memory_space<vmem>>) dst(%dma_wait3A_75 : memref<10240x128xf32, #tpu.memory_space<vmem_shared>>)
      tpu.yield
    }) : () -> ()
    %barrier3A_60 = arith.constant 0 : index
    tpu.barrier barrier_id(%barrier3A_60)
    %mul3A_61 = arith.constant 640 : i32
    %mul3A_62 = arith.muli %arg1, %mul3A_61 : i32
    "tpu.region"() ({
      %run_scoped3A_63 = tpu.sem_alloc : memref<!tpu.dma_semaphore, #tpu.memory_space<semaphore_mem>>
      %dma_start3A_64 = arith.constant 0 : i32
      %dma_start3A_65 = tpu.memref_slice %arg5[%arg0, %mul3A_62, %dma_start3A_64] : memref<2x10240x128xf32, #tpu.memory_space<hbm>> -> memref<1x640x128xf32, #tpu.memory_space<hbm>>
      %dma_start3A_66 = tpu.memref_squeeze %dma_start3A_65 : memref<1x640x128xf32, #tpu.memory_space<hbm>> -> memref<640x128xf32, #tpu.memory_space<hbm>>
      %dma_start3A_67 = arith.constant 0 : i32
      %dma_start3A_68 = tpu.memref_slice %arg10[%mul3A_62, %dma_start3A_67] : memref<10240x128xf32, #tpu.memory_space<vmem_shared>> -> memref<640x128xf32, #tpu.memory_space<vmem_shared>>
      tpu.enqueue_dma source(%dma_start3A_68 : memref<640x128xf32, #tpu.memory_space<vmem_shared>>) target(%dma_start3A_66 : memref<640x128xf32, #tpu.memory_space<hbm>>) target_semaphore(%run_scoped3A_63 : memref<!tpu.dma_semaphore, #tpu.memory_space<semaphore_mem>>)
      %dma_wait3A_69 = arith.constant 0 : i32
      %dma_wait3A_70 = tpu.memref_slice %arg5[%arg0, %mul3A_62, %dma_wait3A_69] : memref<2x10240x128xf32, #tpu.memory_space<hbm>> -> memref<1x640x128xf32, #tpu.memory_space<hbm>>
      %dma_wait3A_71 = tpu.memref_squeeze %dma_wait3A_70 : memref<1x640x128xf32, #tpu.memory_space<hbm>> -> memref<640x128xf32, #tpu.memory_space<hbm>>
      %dma_wait3A_72 = arith.constant 0 : i32
      %dma_wait3A_73 = tpu.memref_slice %arg10[%mul3A_62, %dma_wait3A_72] : memref<10240x128xf32, #tpu.memory_space<vmem_shared>> -> memref<640x128xf32, #tpu.memory_space<vmem_shared>>
      tpu.wait_dma2 semaphore(%run_scoped3A_63 : memref<!tpu.dma_semaphore, #tpu.memory_space<semaphore_mem>>) src(%dma_wait3A_73 : memref<640x128xf32, #tpu.memory_space<vmem_shared>>) dst(%dma_wait3A_71 : memref<640x128xf32, #tpu.memory_space<hbm>>)
      tpu.yield
    }) : () -> ()
    return
  }
}

#map = affine_map<(d0, d1) -> (0, 0, 0)>
#map1 = affine_map<(d0, d1) -> (0, 0)>
module attributes {stable_mosaic.version = 14 : i64} {
  func.func @_sc_degree(%arg0: i32, %arg1: i32, %arg2: memref<4000x1x80xi32, #tpu.memory_space<hbm>>, %arg3: memref<2x10240xf32, #tpu.memory_space<hbm>>, %arg4: memref<125x1x80xi32, #tpu.memory_space<vmem>>, %arg5: memref<80xf32, #tpu.memory_space<vmem>>, %arg6: memref<640xf32, #tpu.memory_space<vmem>>, %arg7: memref<10240xf32, #tpu.memory_space<vmem_shared>>, %arg8: memref<!tpu.dma_semaphore, #tpu.memory_space<semaphore_mem>>) attributes {dimension_semantics = [#tpu.dimension_semantics<core_parallel>, #tpu.dimension_semantics<subcore_parallel>], iteration_bounds = array<i64: 2, 16>, scalar_prefetch = 0 : i64, scratch_operands = 5 : i64, tpu.core_type = #tpu.core_type<sc_vector_subcore>, window_params = [{transform_indices = #map}, {transform_indices = #map1}]} {
    %mul3A = arith.constant 2 : i32
    %mul3A_0 = arith.muli %arg1, %mul3A : i32
    %add3A = arith.addi %mul3A_0, %arg0 : i32
    %broadcast_in_dim3A = arith.constant 1.000000e+00 : f32
    %broadcast_in_dim3A_1 = vector.broadcast %broadcast_in_dim3A : f32 to vector<16xf32>
    %broadcast_in_dim3A_2 = arith.constant 0.000000e+00 : f32
    %broadcast_in_dim3A_3 = vector.broadcast %broadcast_in_dim3A_2 : f32 to vector<16xf32>
    %swap3A = arith.constant 0 : index
    %swap3A_4 = tpu.vector_load %arg5[%swap3A] {strides = array<i32>} : memref<80xf32, #tpu.memory_space<vmem>>, vector<16xf32>,
    %swap3A_5 = vector.shape_cast %swap3A_4 : vector<16xf32> to vector<16xf32>
    %swap3A_6 = vector.shape_cast %broadcast_in_dim3A_1 : vector<16xf32> to vector<16xf32>
    tpu.vector_store %arg5[%swap3A], %swap3A_6 {strides = array<i32>} : memref<80xf32, #tpu.memory_space<vmem>>, vector<16xf32>,
    %swap3A_7 = arith.constant 16 : index
    %swap3A_8 = tpu.vector_load %arg5[%swap3A_7] {strides = array<i32>} : memref<80xf32, #tpu.memory_space<vmem>>, vector<16xf32>,
    %swap3A_9 = vector.shape_cast %swap3A_8 : vector<16xf32> to vector<16xf32>
    %swap3A_10 = vector.shape_cast %broadcast_in_dim3A_1 : vector<16xf32> to vector<16xf32>
    tpu.vector_store %arg5[%swap3A_7], %swap3A_10 {strides = array<i32>} : memref<80xf32, #tpu.memory_space<vmem>>, vector<16xf32>,
    %swap3A_11 = arith.constant 32 : index
    %swap3A_12 = tpu.vector_load %arg5[%swap3A_11] {strides = array<i32>} : memref<80xf32, #tpu.memory_space<vmem>>, vector<16xf32>,
    %swap3A_13 = vector.shape_cast %swap3A_12 : vector<16xf32> to vector<16xf32>
    %swap3A_14 = vector.shape_cast %broadcast_in_dim3A_1 : vector<16xf32> to vector<16xf32>
    tpu.vector_store %arg5[%swap3A_11], %swap3A_14 {strides = array<i32>} : memref<80xf32, #tpu.memory_space<vmem>>, vector<16xf32>,
    %swap3A_15 = arith.constant 48 : index
    %swap3A_16 = tpu.vector_load %arg5[%swap3A_15] {strides = array<i32>} : memref<80xf32, #tpu.memory_space<vmem>>, vector<16xf32>,
    %swap3A_17 = vector.shape_cast %swap3A_16 : vector<16xf32> to vector<16xf32>
    %swap3A_18 = vector.shape_cast %broadcast_in_dim3A_1 : vector<16xf32> to vector<16xf32>
    tpu.vector_store %arg5[%swap3A_15], %swap3A_18 {strides = array<i32>} : memref<80xf32, #tpu.memory_space<vmem>>, vector<16xf32>,
    %swap3A_19 = arith.constant 64 : index
    %swap3A_20 = tpu.vector_load %arg5[%swap3A_19] {strides = array<i32>} : memref<80xf32, #tpu.memory_space<vmem>>, vector<16xf32>,
    %swap3A_21 = vector.shape_cast %swap3A_20 : vector<16xf32> to vector<16xf32>
    %swap3A_22 = vector.shape_cast %broadcast_in_dim3A_1 : vector<16xf32> to vector<16xf32>
    tpu.vector_store %arg5[%swap3A_19], %swap3A_22 {strides = array<i32>} : memref<80xf32, #tpu.memory_space<vmem>>, vector<16xf32>,
    %scan3A = arith.constant 0 : i32
    %scan3A_23 = arith.constant 0 : i32
    %scan3A_24 = arith.constant 40 : i32
    %scan3A_25 = arith.addi %scan3A_23, %scan3A_24 : i32
    %scan3A_26 = arith.constant 1 : i32
    %scan3A_27 = scf.for %scan3A_48 = %scan3A_23 to %scan3A_25 step %scan3A_26 iter_args(%scan3A_49 = %scan3A) -> (i32)  : i32 {
      %mul3A_50 = arith.constant 16 : i32
      %mul3A_51 = arith.muli %scan3A_48, %mul3A_50 : i32
      %swap3A_52 = arith.index_cast %mul3A_51 : i32 to index
      %swap3A_53 = tpu.vector_load %arg6[%swap3A_52] {strides = array<i32>} : memref<640xf32, #tpu.memory_space<vmem>>, vector<16xf32>,
      %swap3A_54 = vector.shape_cast %swap3A_53 : vector<16xf32> to vector<16xf32>
      %swap3A_55 = vector.shape_cast %broadcast_in_dim3A_3 : vector<16xf32> to vector<16xf32>
      tpu.vector_store %arg6[%swap3A_52], %swap3A_55 {strides = array<i32>} : memref<640xf32, #tpu.memory_space<vmem>>, vector<16xf32>,
      %scan3A_56 = arith.constant 0 : i32
      scf.yield %scan3A_56 : i32
    }
    %scan3A_28 = arith.constant 40 : i32
    %mul3A_29 = arith.constant 640 : i32
    %mul3A_30 = arith.muli %arg1, %mul3A_29 : i32
    "tpu.region"() ({
      %run_scoped3A = tpu.sem_alloc : memref<!tpu.dma_semaphore, #tpu.memory_space<semaphore_mem>>
      %dma_start3A = tpu.memref_slice %arg7[%mul3A_30] : memref<10240xf32, #tpu.memory_space<vmem_shared>> -> memref<640xf32, #tpu.memory_space<vmem_shared>>
      %dma_start3A_48 = tpu.memref_slice %arg7[%mul3A_30] : memref<10240xf32, #tpu.memory_space<vmem_shared>> -> memref<640xf32, #tpu.memory_space<vmem_shared>>
      tpu.enqueue_dma source(%arg6 : memref<640xf32, #tpu.memory_space<vmem>>) target(%dma_start3A_48 : memref<640xf32, #tpu.memory_space<vmem_shared>>) target_semaphore(%run_scoped3A : memref<!tpu.dma_semaphore, #tpu.memory_space<semaphore_mem>>)
      %dma_wait3A = tpu.memref_slice %arg7[%mul3A_30] : memref<10240xf32, #tpu.memory_space<vmem_shared>> -> memref<640xf32, #tpu.memory_space<vmem_shared>>
      %dma_wait3A_49 = tpu.memref_slice %arg7[%mul3A_30] : memref<10240xf32, #tpu.memory_space<vmem_shared>> -> memref<640xf32, #tpu.memory_space<vmem_shared>>
      tpu.wait_dma2 semaphore(%run_scoped3A : memref<!tpu.dma_semaphore, #tpu.memory_space<semaphore_mem>>) src(%arg6 : memref<640xf32, #tpu.memory_space<vmem>>) dst(%dma_wait3A_49 : memref<640xf32, #tpu.memory_space<vmem_shared>>)
      tpu.yield
    }) : () -> ()
    %mul3A_31 = arith.constant 125 : i32
    %mul3A_32 = arith.muli %add3A, %mul3A_31 : i32
    "tpu.region"() ({
      %run_scoped3A = tpu.sem_alloc : memref<!tpu.dma_semaphore, #tpu.memory_space<semaphore_mem>>
      %dma_start3A = arith.constant 0 : i32
      %dma_start3A_48 = arith.constant 0 : i32
      %dma_start3A_49 = tpu.memref_slice %arg2[%mul3A_32, %dma_start3A, %dma_start3A_48] : memref<4000x1x80xi32, #tpu.memory_space<hbm>> -> memref<125x1x80xi32, #tpu.memory_space<hbm>>
      %dma_start3A_50 = arith.constant 0 : i32
      %dma_start3A_51 = arith.constant 0 : i32
      %dma_start3A_52 = tpu.memref_slice %arg2[%mul3A_32, %dma_start3A_50, %dma_start3A_51] : memref<4000x1x80xi32, #tpu.memory_space<hbm>> -> memref<125x1x80xi32, #tpu.memory_space<hbm>>
      tpu.enqueue_dma source(%dma_start3A_52 : memref<125x1x80xi32, #tpu.memory_space<hbm>>) target(%arg4 : memref<125x1x80xi32, #tpu.memory_space<vmem>>) target_semaphore(%run_scoped3A : memref<!tpu.dma_semaphore, #tpu.memory_space<semaphore_mem>>)
      %dma_wait3A = arith.constant 0 : i32
      %dma_wait3A_53 = arith.constant 0 : i32
      %dma_wait3A_54 = tpu.memref_slice %arg2[%mul3A_32, %dma_wait3A, %dma_wait3A_53] : memref<4000x1x80xi32, #tpu.memory_space<hbm>> -> memref<125x1x80xi32, #tpu.memory_space<hbm>>
      %dma_wait3A_55 = arith.constant 0 : i32
      %dma_wait3A_56 = arith.constant 0 : i32
      %dma_wait3A_57 = tpu.memref_slice %arg2[%mul3A_32, %dma_wait3A_55, %dma_wait3A_56] : memref<4000x1x80xi32, #tpu.memory_space<hbm>> -> memref<125x1x80xi32, #tpu.memory_space<hbm>>
      tpu.wait_dma2 semaphore(%run_scoped3A : memref<!tpu.dma_semaphore, #tpu.memory_space<semaphore_mem>>) src(%dma_wait3A_57 : memref<125x1x80xi32, #tpu.memory_space<hbm>>) dst(%arg4 : memref<125x1x80xi32, #tpu.memory_space<vmem>>)
      tpu.yield
    }) : () -> ()
    %barrier3A = arith.constant 0 : index
    tpu.barrier barrier_id(%barrier3A)
    %scan3A_33 = arith.constant 0 : i32
    %scan3A_34 = arith.constant 0 : i32
    %scan3A_35 = arith.constant 125 : i32
    %scan3A_36 = arith.addi %scan3A_34, %scan3A_35 : i32
    %scan3A_37 = arith.constant 1 : i32
    %scan3A_38 = scf.for %scan3A_48 = %scan3A_34 to %scan3A_36 step %scan3A_37 iter_args(%scan3A_49 = %scan3A_33) -> (i32)  : i32 {
      %dma_start3A = arith.constant 0 : i32
      %dma_start3A_50 = arith.constant 0 : i32
      %dma_start3A_51 = tpu.memref_slice %arg4[%scan3A_48, %dma_start3A, %dma_start3A_50] : memref<125x1x80xi32, #tpu.memory_space<vmem>> -> memref<1x1x80xi32, #tpu.memory_space<vmem>>
      %dma_start3A_52 = tpu.memref_squeeze %dma_start3A_51 : memref<1x1x80xi32, #tpu.memory_space<vmem>> -> memref<80xi32, #tpu.memory_space<vmem>>
      %dma_start3A_53 = arith.constant 0 : i32
      %dma_start3A_54 = tpu.memref_slice %arg7[%dma_start3A_53] : memref<10240xf32, #tpu.memory_space<vmem_shared>> -> memref<10240xf32, #tpu.memory_space<vmem_shared>>
      tpu.enqueue_indirect_dma source(%arg5 : memref<80xf32, #tpu.memory_space<vmem>>) target(%dma_start3A_54 : memref<10240xf32, #tpu.memory_space<vmem_shared>>) offsets(%dma_start3A_52 : memref<80xi32, #tpu.memory_space<vmem>>) semaphore(%arg8 : memref<!tpu.dma_semaphore, #tpu.memory_space<semaphore_mem>>) {add = true}
      %scan3A_55 = arith.constant 0 : i32
      scf.yield %scan3A_55 : i32
    }
    %scan3A_39 = arith.constant 125 : i32
    %scan3A_40 = arith.constant 0 : i32
    %scan3A_41 = arith.constant 0 : i32
    %scan3A_42 = arith.constant 125 : i32
    %scan3A_43 = arith.addi %scan3A_41, %scan3A_42 : i32
    %scan3A_44 = arith.constant 1 : i32
    %scan3A_45 = scf.for %scan3A_48 = %scan3A_41 to %scan3A_43 step %scan3A_44 iter_args(%scan3A_49 = %scan3A_40) -> (i32)  : i32 {
      %dma_wait3A = arith.constant 0 : i32
      %dma_wait3A_50 = arith.constant 0 : i32
      %dma_wait3A_51 = tpu.memref_slice %arg4[%scan3A_48, %dma_wait3A, %dma_wait3A_50] : memref<125x1x80xi32, #tpu.memory_space<vmem>> -> memref<1x1x80xi32, #tpu.memory_space<vmem>>
      %dma_wait3A_52 = tpu.memref_squeeze %dma_wait3A_51 : memref<1x1x80xi32, #tpu.memory_space<vmem>> -> memref<80xi32, #tpu.memory_space<vmem>>
      %dma_wait3A_53 = arith.constant 0 : i32
      %dma_wait3A_54 = tpu.memref_slice %arg7[%dma_wait3A_53] : memref<10240xf32, #tpu.memory_space<vmem_shared>> -> memref<10240xf32, #tpu.memory_space<vmem_shared>>
      tpu.wait_indirect_dma semaphore(%arg8 : memref<!tpu.dma_semaphore, #tpu.memory_space<semaphore_mem>>) src(%arg5 : memref<80xf32, #tpu.memory_space<vmem>>) dst(%dma_wait3A_54 : memref<10240xf32, #tpu.memory_space<vmem_shared>>)
      %scan3A_55 = arith.constant 0 : i32
      scf.yield %scan3A_55 : i32
    }
    %scan3A_46 = arith.constant 125 : i32
    %barrier3A_47 = arith.constant 0 : index
    tpu.barrier barrier_id(%barrier3A_47)
    "tpu.region"() ({
      %run_scoped3A = tpu.sem_alloc : memref<!tpu.dma_semaphore, #tpu.memory_space<semaphore_mem>>
      %dma_start3A = tpu.memref_slice %arg3[%arg0, %mul3A_30] : memref<2x10240xf32, #tpu.memory_space<hbm>> -> memref<1x640xf32, #tpu.memory_space<hbm>>
      %dma_start3A_48 = tpu.memref_squeeze %dma_start3A : memref<1x640xf32, #tpu.memory_space<hbm>> -> memref<640xf32, #tpu.memory_space<hbm>>
      %dma_start3A_49 = tpu.memref_slice %arg7[%mul3A_30] : memref<10240xf32, #tpu.memory_space<vmem_shared>> -> memref<640xf32, #tpu.memory_space<vmem_shared>>
      tpu.enqueue_dma source(%dma_start3A_49 : memref<640xf32, #tpu.memory_space<vmem_shared>>) target(%dma_start3A_48 : memref<640xf32, #tpu.memory_space<hbm>>) target_semaphore(%run_scoped3A : memref<!tpu.dma_semaphore, #tpu.memory_space<semaphore_mem>>)
      %dma_wait3A = tpu.memref_slice %arg3[%arg0, %mul3A_30] : memref<2x10240xf32, #tpu.memory_space<hbm>> -> memref<1x640xf32, #tpu.memory_space<hbm>>
      %dma_wait3A_50 = tpu.memref_squeeze %dma_wait3A : memref<1x640xf32, #tpu.memory_space<hbm>> -> memref<640xf32, #tpu.memory_space<hbm>>
      %dma_wait3A_51 = tpu.memref_slice %arg7[%mul3A_30] : memref<10240xf32, #tpu.memory_space<vmem_shared>> -> memref<640xf32, #tpu.memory_space<vmem_shared>>
      tpu.wait_dma2 semaphore(%run_scoped3A : memref<!tpu.dma_semaphore, #tpu.memory_space<semaphore_mem>>) src(%dma_wait3A_51 : memref<640xf32, #tpu.memory_space<vmem_shared>>) dst(%dma_wait3A_50 : memref<640xf32, #tpu.memory_space<hbm>>)
      tpu.yield
    }) : () -> ()
    return
  }
}

#map = affine_map<(d0, d1) -> (0)>
#map1 = affine_map<(d0, d1) -> (0, 0, 0)>
#map2 = affine_map<(d0, d1) -> (0, 0)>
module attributes {stable_mosaic.version = 14 : i64} {
  func.func @scat(%arg0: i32, %arg1: i32, %arg2: memref<320000xi32, #tpu.memory_space<hbm>>, %arg3: memref<4000x1x80xi32, #tpu.memory_space<hbm>>, %arg4: memref<10000x128xf32, #tpu.memory_space<hbm>>, %arg5: memref<2x10240x128xf32, #tpu.memory_space<hbm>>, %arg6: memref<10000xi32, #tpu.memory_space<vmem>>, %arg7: memref<125x1x80xi32, #tpu.memory_space<vmem>>, %arg8: memref<80x128xf32, #tpu.memory_space<vmem>>, %arg9: memref<80x128xf32, #tpu.memory_space<vmem>>, %arg10: memref<10240x128xf32, #tpu.memory_space<vmem_shared>>, %arg11: memref<!tpu.dma_semaphore, #tpu.memory_space<semaphore_mem>>, %arg12: memref<!tpu.dma_semaphore, #tpu.memory_space<semaphore_mem>>) attributes {dimension_semantics = [#tpu.dimension_semantics<core_parallel>, #tpu.dimension_semantics<subcore_parallel>], iteration_bounds = array<i64: 2, 16>, scalar_prefetch = 0 : i64, scratch_operands = 7 : i64, tpu.core_type = #tpu.core_type<sc_vector_subcore>, window_params = [{transform_indices = #map}, {transform_indices = #map1}, {transform_indices = #map2}, {transform_indices = #map1}]} {
    %mul3A = arith.constant 2 : i32
    %mul3A_0 = arith.muli %arg1, %mul3A : i32
    %add3A = arith.addi %mul3A_0, %arg0 : i32
    %mul3A_1 = arith.constant 10000 : i32
    %mul3A_2 = arith.muli %add3A, %mul3A_1 : i32
    %broadcast_in_dim3A = arith.constant 0.000000e+00 : f32
    %broadcast_in_dim3A_3 = vector.broadcast %broadcast_in_dim3A : f32 to vector<16xf32>
    %scan3A = arith.constant 0 : i32
    %scan3A_4 = arith.constant 0 : i32
    %scan3A_5 = arith.constant 80 : i32
    %scan3A_6 = arith.addi %scan3A_4, %scan3A_5 : i32
    %scan3A_7 = arith.constant 1 : i32
    %scan3A_8 = scf.for %scan3A_63 = %scan3A_4 to %scan3A_6 step %scan3A_7 iter_args(%scan3A_64 = %scan3A) -> (i32)  : i32 {
      %swap3A = arith.index_cast %scan3A_63 : i32 to index
      %swap3A_65 = arith.constant 0 : index
      %swap3A_66 = tpu.vector_load %arg8[%swap3A, %swap3A_65] {strides = array<i32>} : memref<80x128xf32, #tpu.memory_space<vmem>>, vector<1x16xf32>,
      %swap3A_67 = vector.shape_cast %swap3A_66 : vector<1x16xf32> to vector<16xf32>
      %swap3A_68 = vector.shape_cast %broadcast_in_dim3A_3 : vector<16xf32> to vector<1x16xf32>
      tpu.vector_store %arg8[%swap3A, %swap3A_65], %swap3A_68 {strides = array<i32>} : memref<80x128xf32, #tpu.memory_space<vmem>>, vector<1x16xf32>,
      %swap3A_69 = arith.index_cast %scan3A_63 : i32 to index
      %swap3A_70 = arith.constant 16 : index
      %swap3A_71 = tpu.vector_load %arg8[%swap3A_69, %swap3A_70] {strides = array<i32>} : memref<80x128xf32, #tpu.memory_space<vmem>>, vector<1x16xf32>,
      %swap3A_72 = vector.shape_cast %swap3A_71 : vector<1x16xf32> to vector<16xf32>
      %swap3A_73 = vector.shape_cast %broadcast_in_dim3A_3 : vector<16xf32> to vector<1x16xf32>
      tpu.vector_store %arg8[%swap3A_69, %swap3A_70], %swap3A_73 {strides = array<i32>} : memref<80x128xf32, #tpu.memory_space<vmem>>, vector<1x16xf32>,
      %swap3A_74 = arith.index_cast %scan3A_63 : i32 to index
      %swap3A_75 = arith.constant 32 : index
      %swap3A_76 = tpu.vector_load %arg8[%swap3A_74, %swap3A_75] {strides = array<i32>} : memref<80x128xf32, #tpu.memory_space<vmem>>, vector<1x16xf32>,
      %swap3A_77 = vector.shape_cast %swap3A_76 : vector<1x16xf32> to vector<16xf32>
      %swap3A_78 = vector.shape_cast %broadcast_in_dim3A_3 : vector<16xf32> to vector<1x16xf32>
      tpu.vector_store %arg8[%swap3A_74, %swap3A_75], %swap3A_78 {strides = array<i32>} : memref<80x128xf32, #tpu.memory_space<vmem>>, vector<1x16xf32>,
      %swap3A_79 = arith.index_cast %scan3A_63 : i32 to index
      %swap3A_80 = arith.constant 48 : index
      %swap3A_81 = tpu.vector_load %arg8[%swap3A_79, %swap3A_80] {strides = array<i32>} : memref<80x128xf32, #tpu.memory_space<vmem>>, vector<1x16xf32>,
      %swap3A_82 = vector.shape_cast %swap3A_81 : vector<1x16xf32> to vector<16xf32>
      %swap3A_83 = vector.shape_cast %broadcast_in_dim3A_3 : vector<16xf32> to vector<1x16xf32>
      tpu.vector_store %arg8[%swap3A_79, %swap3A_80], %swap3A_83 {strides = array<i32>} : memref<80x128xf32, #tpu.memory_space<vmem>>, vector<1x16xf32>,
      %swap3A_84 = arith.index_cast %scan3A_63 : i32 to index
      %swap3A_85 = arith.constant 64 : index
      %swap3A_86 = tpu.vector_load %arg8[%swap3A_84, %swap3A_85] {strides = array<i32>} : memref<80x128xf32, #tpu.memory_space<vmem>>, vector<1x16xf32>,
      %swap3A_87 = vector.shape_cast %swap3A_86 : vector<1x16xf32> to vector<16xf32>
      %swap3A_88 = vector.shape_cast %broadcast_in_dim3A_3 : vector<16xf32> to vector<1x16xf32>
      tpu.vector_store %arg8[%swap3A_84, %swap3A_85], %swap3A_88 {strides = array<i32>} : memref<80x128xf32, #tpu.memory_space<vmem>>, vector<1x16xf32>,
      %swap3A_89 = arith.index_cast %scan3A_63 : i32 to index
      %swap3A_90 = arith.constant 80 : index
      %swap3A_91 = tpu.vector_load %arg8[%swap3A_89, %swap3A_90] {strides = array<i32>} : memref<80x128xf32, #tpu.memory_space<vmem>>, vector<1x16xf32>,
      %swap3A_92 = vector.shape_cast %swap3A_91 : vector<1x16xf32> to vector<16xf32>
      %swap3A_93 = vector.shape_cast %broadcast_in_dim3A_3 : vector<16xf32> to vector<1x16xf32>
      tpu.vector_store %arg8[%swap3A_89, %swap3A_90], %swap3A_93 {strides = array<i32>} : memref<80x128xf32, #tpu.memory_space<vmem>>, vector<1x16xf32>,
      %swap3A_94 = arith.index_cast %scan3A_63 : i32 to index
      %swap3A_95 = arith.constant 96 : index
      %swap3A_96 = tpu.vector_load %arg8[%swap3A_94, %swap3A_95] {strides = array<i32>} : memref<80x128xf32, #tpu.memory_space<vmem>>, vector<1x16xf32>,
      %swap3A_97 = vector.shape_cast %swap3A_96 : vector<1x16xf32> to vector<16xf32>
      %swap3A_98 = vector.shape_cast %broadcast_in_dim3A_3 : vector<16xf32> to vector<1x16xf32>
      tpu.vector_store %arg8[%swap3A_94, %swap3A_95], %swap3A_98 {strides = array<i32>} : memref<80x128xf32, #tpu.memory_space<vmem>>, vector<1x16xf32>,
      %swap3A_99 = arith.index_cast %scan3A_63 : i32 to index
      %swap3A_100 = arith.constant 112 : index
      %swap3A_101 = tpu.vector_load %arg8[%swap3A_99, %swap3A_100] {strides = array<i32>} : memref<80x128xf32, #tpu.memory_space<vmem>>, vector<1x16xf32>,
      %swap3A_102 = vector.shape_cast %swap3A_101 : vector<1x16xf32> to vector<16xf32>
      %swap3A_103 = vector.shape_cast %broadcast_in_dim3A_3 : vector<16xf32> to vector<1x16xf32>
      tpu.vector_store %arg8[%swap3A_99, %swap3A_100], %swap3A_103 {strides = array<i32>} : memref<80x128xf32, #tpu.memory_space<vmem>>, vector<1x16xf32>,
      %scan3A_104 = arith.constant 0 : i32
      scf.yield %scan3A_104 : i32
    }
    %scan3A_9 = arith.constant 80 : i32
    %mul3A_10 = arith.constant 640 : i32
    %mul3A_11 = arith.muli %arg1, %mul3A_10 : i32
    %add3A_12 = arith.constant 0 : i32
    %add3A_13 = arith.addi %mul3A_11, %add3A_12 : i32
    "tpu.region"() ({
      %run_scoped3A_63 = tpu.sem_alloc : memref<!tpu.dma_semaphore, #tpu.memory_space<semaphore_mem>>
      %dma_start3A_64 = arith.constant 0 : i32
      %dma_start3A_65 = tpu.memref_slice %arg10[%add3A_13, %dma_start3A_64] : memref<10240x128xf32, #tpu.memory_space<vmem_shared>> -> memref<80x128xf32, #tpu.memory_space<vmem_shared>>
      %dma_start3A_66 = arith.constant 0 : i32
      %dma_start3A_67 = tpu.memref_slice %arg10[%add3A_13, %dma_start3A_66] : memref<10240x128xf32, #tpu.memory_space<vmem_shared>> -> memref<80x128xf32, #tpu.memory_space<vmem_shared>>
      tpu.enqueue_dma source(%arg8 : memref<80x128xf32, #tpu.memory_space<vmem>>) target(%dma_start3A_67 : memref<80x128xf32, #tpu.memory_space<vmem_shared>>) target_semaphore(%run_scoped3A_63 : memref<!tpu.dma_semaphore, #tpu.memory_space<semaphore_mem>>)
      %dma_wait3A_68 = arith.constant 0 : i32
      %dma_wait3A_69 = tpu.memref_slice %arg10[%add3A_13, %dma_wait3A_68] : memref<10240x128xf32, #tpu.memory_space<vmem_shared>> -> memref<80x128xf32, #tpu.memory_space<vmem_shared>>
      %dma_wait3A_70 = arith.constant 0 : i32
      %dma_wait3A_71 = tpu.memref_slice %arg10[%add3A_13, %dma_wait3A_70] : memref<10240x128xf32, #tpu.memory_space<vmem_shared>> -> memref<80x128xf32, #tpu.memory_space<vmem_shared>>
      tpu.wait_dma2 semaphore(%run_scoped3A_63 : memref<!tpu.dma_semaphore, #tpu.memory_space<semaphore_mem>>) src(%arg8 : memref<80x128xf32, #tpu.memory_space<vmem>>) dst(%dma_wait3A_71 : memref<80x128xf32, #tpu.memory_space<vmem_shared>>)
      tpu.yield
    }) : () -> ()
    %mul3A_14 = arith.constant 640 : i32
    %mul3A_15 = arith.muli %arg1, %mul3A_14 : i32
    %add3A_16 = arith.constant 80 : i32
    %add3A_17 = arith.addi %mul3A_15, %add3A_16 : i32
    "tpu.region"() ({
      %run_scoped3A_63 = tpu.sem_alloc : memref<!tpu.dma_semaphore, #tpu.memory_space<semaphore_mem>>
      %dma_start3A_64 = arith.constant 0 : i32
      %dma_start3A_65 = tpu.memref_slice %arg10[%add3A_17, %dma_start3A_64] : memref<10240x128xf32, #tpu.memory_space<vmem_shared>> -> memref<80x128xf32, #tpu.memory_space<vmem_shared>>
      %dma_start3A_66 = arith.constant 0 : i32
      %dma_start3A_67 = tpu.memref_slice %arg10[%add3A_17, %dma_start3A_66] : memref<10240x128xf32, #tpu.memory_space<vmem_shared>> -> memref<80x128xf32, #tpu.memory_space<vmem_shared>>
      tpu.enqueue_dma source(%arg8 : memref<80x128xf32, #tpu.memory_space<vmem>>) target(%dma_start3A_67 : memref<80x128xf32, #tpu.memory_space<vmem_shared>>) target_semaphore(%run_scoped3A_63 : memref<!tpu.dma_semaphore, #tpu.memory_space<semaphore_mem>>)
      %dma_wait3A_68 = arith.constant 0 : i32
      %dma_wait3A_69 = tpu.memref_slice %arg10[%add3A_17, %dma_wait3A_68] : memref<10240x128xf32, #tpu.memory_space<vmem_shared>> -> memref<80x128xf32, #tpu.memory_space<vmem_shared>>
      %dma_wait3A_70 = arith.constant 0 : i32
      %dma_wait3A_71 = tpu.memref_slice %arg10[%add3A_17, %dma_wait3A_70] : memref<10240x128xf32, #tpu.memory_space<vmem_shared>> -> memref<80x128xf32, #tpu.memory_space<vmem_shared>>
      tpu.wait_dma2 semaphore(%run_scoped3A_63 : memref<!tpu.dma_semaphore, #tpu.memory_space<semaphore_mem>>) src(%arg8 : memref<80x128xf32, #tpu.memory_space<vmem>>) dst(%dma_wait3A_71 : memref<80x128xf32, #tpu.memory_space<vmem_shared>>)
      tpu.yield
    }) : () -> ()
    %mul3A_18 = arith.constant 640 : i32
    %mul3A_19 = arith.muli %arg1, %mul3A_18 : i32
    %add3A_20 = arith.constant 160 : i32
    %add3A_21 = arith.addi %mul3A_19, %add3A_20 : i32
    "tpu.region"() ({
      %run_scoped3A_63 = tpu.sem_alloc : memref<!tpu.dma_semaphore, #tpu.memory_space<semaphore_mem>>
      %dma_start3A_64 = arith.constant 0 : i32
      %dma_start3A_65 = tpu.memref_slice %arg10[%add3A_21, %dma_start3A_64] : memref<10240x128xf32, #tpu.memory_space<vmem_shared>> -> memref<80x128xf32, #tpu.memory_space<vmem_shared>>
      %dma_start3A_66 = arith.constant 0 : i32
      %dma_start3A_67 = tpu.memref_slice %arg10[%add3A_21, %dma_start3A_66] : memref<10240x128xf32, #tpu.memory_space<vmem_shared>> -> memref<80x128xf32, #tpu.memory_space<vmem_shared>>
      tpu.enqueue_dma source(%arg8 : memref<80x128xf32, #tpu.memory_space<vmem>>) target(%dma_start3A_67 : memref<80x128xf32, #tpu.memory_space<vmem_shared>>) target_semaphore(%run_scoped3A_63 : memref<!tpu.dma_semaphore, #tpu.memory_space<semaphore_mem>>)
      %dma_wait3A_68 = arith.constant 0 : i32
      %dma_wait3A_69 = tpu.memref_slice %arg10[%add3A_21, %dma_wait3A_68] : memref<10240x128xf32, #tpu.memory_space<vmem_shared>> -> memref<80x128xf32, #tpu.memory_space<vmem_shared>>
      %dma_wait3A_70 = arith.constant 0 : i32
      %dma_wait3A_71 = tpu.memref_slice %arg10[%add3A_21, %dma_wait3A_70] : memref<10240x128xf32, #tpu.memory_space<vmem_shared>> -> memref<80x128xf32, #tpu.memory_space<vmem_shared>>
      tpu.wait_dma2 semaphore(%run_scoped3A_63 : memref<!tpu.dma_semaphore, #tpu.memory_space<semaphore_mem>>) src(%arg8 : memref<80x128xf32, #tpu.memory_space<vmem>>) dst(%dma_wait3A_71 : memref<80x128xf32, #tpu.memory_space<vmem_shared>>)
      tpu.yield
    }) : () -> ()
    %mul3A_22 = arith.constant 640 : i32
    %mul3A_23 = arith.muli %arg1, %mul3A_22 : i32
    %add3A_24 = arith.constant 240 : i32
    %add3A_25 = arith.addi %mul3A_23, %add3A_24 : i32
    "tpu.region"() ({
      %run_scoped3A_63 = tpu.sem_alloc : memref<!tpu.dma_semaphore, #tpu.memory_space<semaphore_mem>>
      %dma_start3A_64 = arith.constant 0 : i32
      %dma_start3A_65 = tpu.memref_slice %arg10[%add3A_25, %dma_start3A_64] : memref<10240x128xf32, #tpu.memory_space<vmem_shared>> -> memref<80x128xf32, #tpu.memory_space<vmem_shared>>
      %dma_start3A_66 = arith.constant 0 : i32
      %dma_start3A_67 = tpu.memref_slice %arg10[%add3A_25, %dma_start3A_66] : memref<10240x128xf32, #tpu.memory_space<vmem_shared>> -> memref<80x128xf32, #tpu.memory_space<vmem_shared>>
      tpu.enqueue_dma source(%arg8 : memref<80x128xf32, #tpu.memory_space<vmem>>) target(%dma_start3A_67 : memref<80x128xf32, #tpu.memory_space<vmem_shared>>) target_semaphore(%run_scoped3A_63 : memref<!tpu.dma_semaphore, #tpu.memory_space<semaphore_mem>>)
      %dma_wait3A_68 = arith.constant 0 : i32
      %dma_wait3A_69 = tpu.memref_slice %arg10[%add3A_25, %dma_wait3A_68] : memref<10240x128xf32, #tpu.memory_space<vmem_shared>> -> memref<80x128xf32, #tpu.memory_space<vmem_shared>>
      %dma_wait3A_70 = arith.constant 0 : i32
      %dma_wait3A_71 = tpu.memref_slice %arg10[%add3A_25, %dma_wait3A_70] : memref<10240x128xf32, #tpu.memory_space<vmem_shared>> -> memref<80x128xf32, #tpu.memory_space<vmem_shared>>
      tpu.wait_dma2 semaphore(%run_scoped3A_63 : memref<!tpu.dma_semaphore, #tpu.memory_space<semaphore_mem>>) src(%arg8 : memref<80x128xf32, #tpu.memory_space<vmem>>) dst(%dma_wait3A_71 : memref<80x128xf32, #tpu.memory_space<vmem_shared>>)
      tpu.yield
    }) : () -> ()
    %mul3A_26 = arith.constant 640 : i32
    %mul3A_27 = arith.muli %arg1, %mul3A_26 : i32
    %add3A_28 = arith.constant 320 : i32
    %add3A_29 = arith.addi %mul3A_27, %add3A_28 : i32
    "tpu.region"() ({
      %run_scoped3A_63 = tpu.sem_alloc : memref<!tpu.dma_semaphore, #tpu.memory_space<semaphore_mem>>
      %dma_start3A_64 = arith.constant 0 : i32
      %dma_start3A_65 = tpu.memref_slice %arg10[%add3A_29, %dma_start3A_64] : memref<10240x128xf32, #tpu.memory_space<vmem_shared>> -> memref<80x128xf32, #tpu.memory_space<vmem_shared>>
      %dma_start3A_66 = arith.constant 0 : i32
      %dma_start3A_67 = tpu.memref_slice %arg10[%add3A_29, %dma_start3A_66] : memref<10240x128xf32, #tpu.memory_space<vmem_shared>> -> memref<80x128xf32, #tpu.memory_space<vmem_shared>>
      tpu.enqueue_dma source(%arg8 : memref<80x128xf32, #tpu.memory_space<vmem>>) target(%dma_start3A_67 : memref<80x128xf32, #tpu.memory_space<vmem_shared>>) target_semaphore(%run_scoped3A_63 : memref<!tpu.dma_semaphore, #tpu.memory_space<semaphore_mem>>)
      %dma_wait3A_68 = arith.constant 0 : i32
      %dma_wait3A_69 = tpu.memref_slice %arg10[%add3A_29, %dma_wait3A_68] : memref<10240x128xf32, #tpu.memory_space<vmem_shared>> -> memref<80x128xf32, #tpu.memory_space<vmem_shared>>
      %dma_wait3A_70 = arith.constant 0 : i32
      %dma_wait3A_71 = tpu.memref_slice %arg10[%add3A_29, %dma_wait3A_70] : memref<10240x128xf32, #tpu.memory_space<vmem_shared>> -> memref<80x128xf32, #tpu.memory_space<vmem_shared>>
      tpu.wait_dma2 semaphore(%run_scoped3A_63 : memref<!tpu.dma_semaphore, #tpu.memory_space<semaphore_mem>>) src(%arg8 : memref<80x128xf32, #tpu.memory_space<vmem>>) dst(%dma_wait3A_71 : memref<80x128xf32, #tpu.memory_space<vmem_shared>>)
      tpu.yield
    }) : () -> ()
    %mul3A_30 = arith.constant 640 : i32
    %mul3A_31 = arith.muli %arg1, %mul3A_30 : i32
    %add3A_32 = arith.constant 400 : i32
    %add3A_33 = arith.addi %mul3A_31, %add3A_32 : i32
    "tpu.region"() ({
      %run_scoped3A_63 = tpu.sem_alloc : memref<!tpu.dma_semaphore, #tpu.memory_space<semaphore_mem>>
      %dma_start3A_64 = arith.constant 0 : i32
      %dma_start3A_65 = tpu.memref_slice %arg10[%add3A_33, %dma_start3A_64] : memref<10240x128xf32, #tpu.memory_space<vmem_shared>> -> memref<80x128xf32, #tpu.memory_space<vmem_shared>>
      %dma_start3A_66 = arith.constant 0 : i32
      %dma_start3A_67 = tpu.memref_slice %arg10[%add3A_33, %dma_start3A_66] : memref<10240x128xf32, #tpu.memory_space<vmem_shared>> -> memref<80x128xf32, #tpu.memory_space<vmem_shared>>
      tpu.enqueue_dma source(%arg8 : memref<80x128xf32, #tpu.memory_space<vmem>>) target(%dma_start3A_67 : memref<80x128xf32, #tpu.memory_space<vmem_shared>>) target_semaphore(%run_scoped3A_63 : memref<!tpu.dma_semaphore, #tpu.memory_space<semaphore_mem>>)
      %dma_wait3A_68 = arith.constant 0 : i32
      %dma_wait3A_69 = tpu.memref_slice %arg10[%add3A_33, %dma_wait3A_68] : memref<10240x128xf32, #tpu.memory_space<vmem_shared>> -> memref<80x128xf32, #tpu.memory_space<vmem_shared>>
      %dma_wait3A_70 = arith.constant 0 : i32
      %dma_wait3A_71 = tpu.memref_slice %arg10[%add3A_33, %dma_wait3A_70] : memref<10240x128xf32, #tpu.memory_space<vmem_shared>> -> memref<80x128xf32, #tpu.memory_space<vmem_shared>>
      tpu.wait_dma2 semaphore(%run_scoped3A_63 : memref<!tpu.dma_semaphore, #tpu.memory_space<semaphore_mem>>) src(%arg8 : memref<80x128xf32, #tpu.memory_space<vmem>>) dst(%dma_wait3A_71 : memref<80x128xf32, #tpu.memory_space<vmem_shared>>)
      tpu.yield
    }) : () -> ()
    %mul3A_34 = arith.constant 640 : i32
    %mul3A_35 = arith.muli %arg1, %mul3A_34 : i32
    %add3A_36 = arith.constant 480 : i32
    %add3A_37 = arith.addi %mul3A_35, %add3A_36 : i32
    "tpu.region"() ({
      %run_scoped3A_63 = tpu.sem_alloc : memref<!tpu.dma_semaphore, #tpu.memory_space<semaphore_mem>>
      %dma_start3A_64 = arith.constant 0 : i32
      %dma_start3A_65 = tpu.memref_slice %arg10[%add3A_37, %dma_start3A_64] : memref<10240x128xf32, #tpu.memory_space<vmem_shared>> -> memref<80x128xf32, #tpu.memory_space<vmem_shared>>
      %dma_start3A_66 = arith.constant 0 : i32
      %dma_start3A_67 = tpu.memref_slice %arg10[%add3A_37, %dma_start3A_66] : memref<10240x128xf32, #tpu.memory_space<vmem_shared>> -> memref<80x128xf32, #tpu.memory_space<vmem_shared>>
      tpu.enqueue_dma source(%arg8 : memref<80x128xf32, #tpu.memory_space<vmem>>) target(%dma_start3A_67 : memref<80x128xf32, #tpu.memory_space<vmem_shared>>) target_semaphore(%run_scoped3A_63 : memref<!tpu.dma_semaphore, #tpu.memory_space<semaphore_mem>>)
      %dma_wait3A_68 = arith.constant 0 : i32
      %dma_wait3A_69 = tpu.memref_slice %arg10[%add3A_37, %dma_wait3A_68] : memref<10240x128xf32, #tpu.memory_space<vmem_shared>> -> memref<80x128xf32, #tpu.memory_space<vmem_shared>>
      %dma_wait3A_70 = arith.constant 0 : i32
      %dma_wait3A_71 = tpu.memref_slice %arg10[%add3A_37, %dma_wait3A_70] : memref<10240x128xf32, #tpu.memory_space<vmem_shared>> -> memref<80x128xf32, #tpu.memory_space<vmem_shared>>
      tpu.wait_dma2 semaphore(%run_scoped3A_63 : memref<!tpu.dma_semaphore, #tpu.memory_space<semaphore_mem>>) src(%arg8 : memref<80x128xf32, #tpu.memory_space<vmem>>) dst(%dma_wait3A_71 : memref<80x128xf32, #tpu.memory_space<vmem_shared>>)
      tpu.yield
    }) : () -> ()
    %mul3A_38 = arith.constant 640 : i32
    %mul3A_39 = arith.muli %arg1, %mul3A_38 : i32
    %add3A_40 = arith.constant 560 : i32
    %add3A_41 = arith.addi %mul3A_39, %add3A_40 : i32
    "tpu.region"() ({
      %run_scoped3A_63 = tpu.sem_alloc : memref<!tpu.dma_semaphore, #tpu.memory_space<semaphore_mem>>
      %dma_start3A_64 = arith.constant 0 : i32
      %dma_start3A_65 = tpu.memref_slice %arg10[%add3A_41, %dma_start3A_64] : memref<10240x128xf32, #tpu.memory_space<vmem_shared>> -> memref<80x128xf32, #tpu.memory_space<vmem_shared>>
      %dma_start3A_66 = arith.constant 0 : i32
      %dma_start3A_67 = tpu.memref_slice %arg10[%add3A_41, %dma_start3A_66] : memref<10240x128xf32, #tpu.memory_space<vmem_shared>> -> memref<80x128xf32, #tpu.memory_space<vmem_shared>>
      tpu.enqueue_dma source(%arg8 : memref<80x128xf32, #tpu.memory_space<vmem>>) target(%dma_start3A_67 : memref<80x128xf32, #tpu.memory_space<vmem_shared>>) target_semaphore(%run_scoped3A_63 : memref<!tpu.dma_semaphore, #tpu.memory_space<semaphore_mem>>)
      %dma_wait3A_68 = arith.constant 0 : i32
      %dma_wait3A_69 = tpu.memref_slice %arg10[%add3A_41, %dma_wait3A_68] : memref<10240x128xf32, #tpu.memory_space<vmem_shared>> -> memref<80x128xf32, #tpu.memory_space<vmem_shared>>
      %dma_wait3A_70 = arith.constant 0 : i32
      %dma_wait3A_71 = tpu.memref_slice %arg10[%add3A_41, %dma_wait3A_70] : memref<10240x128xf32, #tpu.memory_space<vmem_shared>> -> memref<80x128xf32, #tpu.memory_space<vmem_shared>>
      tpu.wait_dma2 semaphore(%run_scoped3A_63 : memref<!tpu.dma_semaphore, #tpu.memory_space<semaphore_mem>>) src(%arg8 : memref<80x128xf32, #tpu.memory_space<vmem>>) dst(%dma_wait3A_71 : memref<80x128xf32, #tpu.memory_space<vmem_shared>>)
      tpu.yield
    }) : () -> ()
    "tpu.region"() ({
      %run_scoped3A_63 = tpu.sem_alloc : memref<!tpu.dma_semaphore, #tpu.memory_space<semaphore_mem>>
      %dma_start3A_64 = tpu.memref_slice %arg2[%mul3A_2] : memref<320000xi32, #tpu.memory_space<hbm>> -> memref<10000xi32, #tpu.memory_space<hbm>>
      %dma_start3A_65 = tpu.memref_slice %arg2[%mul3A_2] : memref<320000xi32, #tpu.memory_space<hbm>> -> memref<10000xi32, #tpu.memory_space<hbm>>
      tpu.enqueue_dma source(%dma_start3A_65 : memref<10000xi32, #tpu.memory_space<hbm>>) target(%arg6 : memref<10000xi32, #tpu.memory_space<vmem>>) target_semaphore(%run_scoped3A_63 : memref<!tpu.dma_semaphore, #tpu.memory_space<semaphore_mem>>)
      %dma_wait3A_66 = tpu.memref_slice %arg2[%mul3A_2] : memref<320000xi32, #tpu.memory_space<hbm>> -> memref<10000xi32, #tpu.memory_space<hbm>>
      %dma_wait3A_67 = tpu.memref_slice %arg2[%mul3A_2] : memref<320000xi32, #tpu.memory_space<hbm>> -> memref<10000xi32, #tpu.memory_space<hbm>>
      tpu.wait_dma2 semaphore(%run_scoped3A_63 : memref<!tpu.dma_semaphore, #tpu.memory_space<semaphore_mem>>) src(%dma_wait3A_67 : memref<10000xi32, #tpu.memory_space<hbm>>) dst(%arg6 : memref<10000xi32, #tpu.memory_space<vmem>>)
      tpu.yield
    }) : () -> ()
    %mul3A_42 = arith.constant 125 : i32
    %mul3A_43 = arith.muli %add3A, %mul3A_42 : i32
    "tpu.region"() ({
      %run_scoped3A_63 = tpu.sem_alloc : memref<!tpu.dma_semaphore, #tpu.memory_space<semaphore_mem>>
      %dma_start3A_64 = arith.constant 0 : i32
      %dma_start3A_65 = arith.constant 0 : i32
      %dma_start3A_66 = tpu.memref_slice %arg3[%mul3A_43, %dma_start3A_64, %dma_start3A_65] : memref<4000x1x80xi32, #tpu.memory_space<hbm>> -> memref<125x1x80xi32, #tpu.memory_space<hbm>>
      %dma_start3A_67 = arith.constant 0 : i32
      %dma_start3A_68 = arith.constant 0 : i32
      %dma_start3A_69 = tpu.memref_slice %arg3[%mul3A_43, %dma_start3A_67, %dma_start3A_68] : memref<4000x1x80xi32, #tpu.memory_space<hbm>> -> memref<125x1x80xi32, #tpu.memory_space<hbm>>
      tpu.enqueue_dma source(%dma_start3A_69 : memref<125x1x80xi32, #tpu.memory_space<hbm>>) target(%arg7 : memref<125x1x80xi32, #tpu.memory_space<vmem>>) target_semaphore(%run_scoped3A_63 : memref<!tpu.dma_semaphore, #tpu.memory_space<semaphore_mem>>)
      %dma_wait3A_70 = arith.constant 0 : i32
      %dma_wait3A_71 = arith.constant 0 : i32
      %dma_wait3A_72 = tpu.memref_slice %arg3[%mul3A_43, %dma_wait3A_70, %dma_wait3A_71] : memref<4000x1x80xi32, #tpu.memory_space<hbm>> -> memref<125x1x80xi32, #tpu.memory_space<hbm>>
      %dma_wait3A_73 = arith.constant 0 : i32
      %dma_wait3A_74 = arith.constant 0 : i32
      %dma_wait3A_75 = tpu.memref_slice %arg3[%mul3A_43, %dma_wait3A_73, %dma_wait3A_74] : memref<4000x1x80xi32, #tpu.memory_space<hbm>> -> memref<125x1x80xi32, #tpu.memory_space<hbm>>
      tpu.wait_dma2 semaphore(%run_scoped3A_63 : memref<!tpu.dma_semaphore, #tpu.memory_space<semaphore_mem>>) src(%dma_wait3A_75 : memref<125x1x80xi32, #tpu.memory_space<hbm>>) dst(%arg7 : memref<125x1x80xi32, #tpu.memory_space<vmem>>)
      tpu.yield
    }) : () -> ()
    %barrier3A = arith.constant 0 : index
    tpu.barrier barrier_id(%barrier3A)
    %dma_start3A = arith.constant 0 : i32
    %dma_start3A_44 = tpu.memref_slice %arg6[%dma_start3A] : memref<10000xi32, #tpu.memory_space<vmem>> -> memref<80xi32, #tpu.memory_space<vmem>>
    %dma_start3A_45 = arith.constant 0 : i32
    %dma_start3A_46 = arith.constant 0 : i32
    %dma_start3A_47 = tpu.memref_slice %arg4[%dma_start3A_45, %dma_start3A_46] : memref<10000x128xf32, #tpu.memory_space<hbm>> -> memref<10000x128xf32, #tpu.memory_space<hbm>>
    tpu.enqueue_indirect_dma source(%dma_start3A_47 : memref<10000x128xf32, #tpu.memory_space<hbm>>) target(%arg8 : memref<80x128xf32, #tpu.memory_space<vmem>>) offsets(%dma_start3A_44 : memref<80xi32, #tpu.memory_space<vmem>>) semaphore(%arg11 : memref<!tpu.dma_semaphore, #tpu.memory_space<semaphore_mem>>)
    %scan3A_48 = arith.constant 0 : i32
    %scan3A_49 = arith.constant 0 : i32
    %scan3A_50 = arith.constant 62 : i32
    %scan3A_51 = arith.addi %scan3A_49, %scan3A_50 : i32
    %scan3A_52 = arith.constant 1 : i32
    %scan3A_53 = scf.for %scan3A_63 = %scan3A_49 to %scan3A_51 step %scan3A_52 iter_args(%scan3A_64 = %scan3A_48) -> (i32)  : i32 {
      %mul3A_65 = arith.constant 2 : i32
      %mul3A_66 = arith.muli %mul3A_65, %scan3A_63 : i32
      %add3A_67 = arith.constant 1 : i32
      %add3A_68 = arith.addi %mul3A_66, %add3A_67 : i32
      %mul3A_69 = arith.constant 80 : i32
      %mul3A_70 = arith.muli %add3A_68, %mul3A_69 : i32
      %dma_start3A_71 = tpu.memref_slice %arg6[%mul3A_70] : memref<10000xi32, #tpu.memory_space<vmem>> -> memref<80xi32, #tpu.memory_space<vmem>>
      %dma_start3A_72 = arith.constant 0 : i32
      %dma_start3A_73 = arith.constant 0 : i32
      %dma_start3A_74 = tpu.memref_slice %arg4[%dma_start3A_72, %dma_start3A_73] : memref<10000x128xf32, #tpu.memory_space<hbm>> -> memref<10000x128xf32, #tpu.memory_space<hbm>>
      tpu.enqueue_indirect_dma source(%dma_start3A_74 : memref<10000x128xf32, #tpu.memory_space<hbm>>) target(%arg9 : memref<80x128xf32, #tpu.memory_space<vmem>>) offsets(%dma_start3A_71 : memref<80xi32, #tpu.memory_space<vmem>>) semaphore(%arg12 : memref<!tpu.dma_semaphore, #tpu.memory_space<semaphore_mem>>)
      %sub3A = arith.constant 1 : i32
      %sub3A_75 = arith.subi %add3A_68, %sub3A : i32
      %mul3A_76 = arith.constant 80 : i32
      %mul3A_77 = arith.muli %sub3A_75, %mul3A_76 : i32
      %dma_wait3A_78 = tpu.memref_slice %arg6[%mul3A_77] : memref<10000xi32, #tpu.memory_space<vmem>> -> memref<80xi32, #tpu.memory_space<vmem>>
      %dma_wait3A_79 = arith.constant 0 : i32
      %dma_wait3A_80 = arith.constant 0 : i32
      %dma_wait3A_81 = tpu.memref_slice %arg4[%dma_wait3A_79, %dma_wait3A_80] : memref<10000x128xf32, #tpu.memory_space<hbm>> -> memref<10000x128xf32, #tpu.memory_space<hbm>>
      tpu.wait_indirect_dma semaphore(%arg11 : memref<!tpu.dma_semaphore, #tpu.memory_space<semaphore_mem>>) src(%dma_wait3A_81 : memref<10000x128xf32, #tpu.memory_space<hbm>>) dst(%arg8 : memref<80x128xf32, #tpu.memory_space<vmem>>)
      %run_scoped3A_82 = arith.constant 0 : i32
      "tpu.region"() ({
        %run_scoped3A_99 = tpu.sem_alloc : memref<!tpu.dma_semaphore, #tpu.memory_space<semaphore_mem>>
        %dma_start3A_100 = arith.constant 0 : i32
        %dma_start3A_101 = tpu.memref_slice %arg7[%sub3A_75, %run_scoped3A_82, %dma_start3A_100] : memref<125x1x80xi32, #tpu.memory_space<vmem>> -> memref<1x1x80xi32, #tpu.memory_space<vmem>>
        %dma_start3A_102 = tpu.memref_squeeze %dma_start3A_101 : memref<1x1x80xi32, #tpu.memory_space<vmem>> -> memref<80xi32, #tpu.memory_space<vmem>>
        %dma_start3A_103 = arith.constant 0 : i32
        %dma_start3A_104 = arith.constant 0 : i32
        %dma_start3A_105 = tpu.memref_slice %arg10[%dma_start3A_103, %dma_start3A_104] : memref<10240x128xf32, #tpu.memory_space<vmem_shared>> -> memref<10240x128xf32, #tpu.memory_space<vmem_shared>>
        tpu.enqueue_indirect_dma source(%arg8 : memref<80x128xf32, #tpu.memory_space<vmem>>) target(%dma_start3A_105 : memref<10240x128xf32, #tpu.memory_space<vmem_shared>>) offsets(%dma_start3A_102 : memref<80xi32, #tpu.memory_space<vmem>>) semaphore(%run_scoped3A_99 : memref<!tpu.dma_semaphore, #tpu.memory_space<semaphore_mem>>) {add = true}
        %dma_wait3A_106 = arith.constant 0 : i32
        %dma_wait3A_107 = tpu.memref_slice %arg7[%sub3A_75, %run_scoped3A_82, %dma_wait3A_106] : memref<125x1x80xi32, #tpu.memory_space<vmem>> -> memref<1x1x80xi32, #tpu.memory_space<vmem>>
        %dma_wait3A_108 = tpu.memref_squeeze %dma_wait3A_107 : memref<1x1x80xi32, #tpu.memory_space<vmem>> -> memref<80xi32, #tpu.memory_space<vmem>>
        %dma_wait3A_109 = arith.constant 0 : i32
        %dma_wait3A_110 = arith.constant 0 : i32
        %dma_wait3A_111 = tpu.memref_slice %arg10[%dma_wait3A_109, %dma_wait3A_110] : memref<10240x128xf32, #tpu.memory_space<vmem_shared>> -> memref<10240x128xf32, #tpu.memory_space<vmem_shared>>
        tpu.wait_indirect_dma semaphore(%run_scoped3A_99 : memref<!tpu.dma_semaphore, #tpu.memory_space<semaphore_mem>>) src(%arg8 : memref<80x128xf32, #tpu.memory_space<vmem>>) dst(%dma_wait3A_111 : memref<10240x128xf32, #tpu.memory_space<vmem_shared>>)
        tpu.yield
      }) : () -> ()
      %add3A_83 = arith.constant 1 : i32
      %add3A_84 = arith.addi %add3A_68, %add3A_83 : i32
      %mul3A_85 = arith.constant 80 : i32
      %mul3A_86 = arith.muli %add3A_84, %mul3A_85 : i32
      %dma_start3A_87 = tpu.memref_slice %arg6[%mul3A_86] : memref<10000xi32, #tpu.memory_space<vmem>> -> memref<80xi32, #tpu.memory_space<vmem>>
      %dma_start3A_88 = arith.constant 0 : i32
      %dma_start3A_89 = arith.constant 0 : i32
      %dma_start3A_90 = tpu.memref_slice %arg4[%dma_start3A_88, %dma_start3A_89] : memref<10000x128xf32, #tpu.memory_space<hbm>> -> memref<10000x128xf32, #tpu.memory_space<hbm>>
      tpu.enqueue_indirect_dma source(%dma_start3A_90 : memref<10000x128xf32, #tpu.memory_space<hbm>>) target(%arg8 : memref<80x128xf32, #tpu.memory_space<vmem>>) offsets(%dma_start3A_87 : memref<80xi32, #tpu.memory_space<vmem>>) semaphore(%arg11 : memref<!tpu.dma_semaphore, #tpu.memory_space<semaphore_mem>>)
      %mul3A_91 = arith.constant 80 : i32
      %mul3A_92 = arith.muli %add3A_68, %mul3A_91 : i32
      %dma_wait3A_93 = tpu.memref_slice %arg6[%mul3A_92] : memref<10000xi32, #tpu.memory_space<vmem>> -> memref<80xi32, #tpu.memory_space<vmem>>
      %dma_wait3A_94 = arith.constant 0 : i32
      %dma_wait3A_95 = arith.constant 0 : i32
      %dma_wait3A_96 = tpu.memref_slice %arg4[%dma_wait3A_94, %dma_wait3A_95] : memref<10000x128xf32, #tpu.memory_space<hbm>> -> memref<10000x128xf32, #tpu.memory_space<hbm>>
      tpu.wait_indirect_dma semaphore(%arg12 : memref<!tpu.dma_semaphore, #tpu.memory_space<semaphore_mem>>) src(%dma_wait3A_96 : memref<10000x128xf32, #tpu.memory_space<hbm>>) dst(%arg9 : memref<80x128xf32, #tpu.memory_space<vmem>>)
      %run_scoped3A_97 = arith.constant 0 : i32
      "tpu.region"() ({
        %run_scoped3A_99 = tpu.sem_alloc : memref<!tpu.dma_semaphore, #tpu.memory_space<semaphore_mem>>
        %dma_start3A_100 = arith.constant 0 : i32
        %dma_start3A_101 = tpu.memref_slice %arg7[%add3A_68, %run_scoped3A_97, %dma_start3A_100] : memref<125x1x80xi32, #tpu.memory_space<vmem>> -> memref<1x1x80xi32, #tpu.memory_space<vmem>>
        %dma_start3A_102 = tpu.memref_squeeze %dma_start3A_101 : memref<1x1x80xi32, #tpu.memory_space<vmem>> -> memref<80xi32, #tpu.memory_space<vmem>>
        %dma_start3A_103 = arith.constant 0 : i32
        %dma_start3A_104 = arith.constant 0 : i32
        %dma_start3A_105 = tpu.memref_slice %arg10[%dma_start3A_103, %dma_start3A_104] : memref<10240x128xf32, #tpu.memory_space<vmem_shared>> -> memref<10240x128xf32, #tpu.memory_space<vmem_shared>>
        tpu.enqueue_indirect_dma source(%arg9 : memref<80x128xf32, #tpu.memory_space<vmem>>) target(%dma_start3A_105 : memref<10240x128xf32, #tpu.memory_space<vmem_shared>>) offsets(%dma_start3A_102 : memref<80xi32, #tpu.memory_space<vmem>>) semaphore(%run_scoped3A_99 : memref<!tpu.dma_semaphore, #tpu.memory_space<semaphore_mem>>) {add = true}
        %dma_wait3A_106 = arith.constant 0 : i32
        %dma_wait3A_107 = tpu.memref_slice %arg7[%add3A_68, %run_scoped3A_97, %dma_wait3A_106] : memref<125x1x80xi32, #tpu.memory_space<vmem>> -> memref<1x1x80xi32, #tpu.memory_space<vmem>>
        %dma_wait3A_108 = tpu.memref_squeeze %dma_wait3A_107 : memref<1x1x80xi32, #tpu.memory_space<vmem>> -> memref<80xi32, #tpu.memory_space<vmem>>
        %dma_wait3A_109 = arith.constant 0 : i32
        %dma_wait3A_110 = arith.constant 0 : i32
        %dma_wait3A_111 = tpu.memref_slice %arg10[%dma_wait3A_109, %dma_wait3A_110] : memref<10240x128xf32, #tpu.memory_space<vmem_shared>> -> memref<10240x128xf32, #tpu.memory_space<vmem_shared>>
        tpu.wait_indirect_dma semaphore(%run_scoped3A_99 : memref<!tpu.dma_semaphore, #tpu.memory_space<semaphore_mem>>) src(%arg9 : memref<80x128xf32, #tpu.memory_space<vmem>>) dst(%dma_wait3A_111 : memref<10240x128xf32, #tpu.memory_space<vmem_shared>>)
        tpu.yield
      }) : () -> ()
      %scan3A_98 = arith.constant 0 : i32
      scf.yield %scan3A_98 : i32
    }
    %scan3A_54 = arith.constant 62 : i32
    %dma_wait3A = arith.constant 9920 : i32
    %dma_wait3A_55 = tpu.memref_slice %arg6[%dma_wait3A] : memref<10000xi32, #tpu.memory_space<vmem>> -> memref<80xi32, #tpu.memory_space<vmem>>
    %dma_wait3A_56 = arith.constant 0 : i32
    %dma_wait3A_57 = arith.constant 0 : i32
    %dma_wait3A_58 = tpu.memref_slice %arg4[%dma_wait3A_56, %dma_wait3A_57] : memref<10000x128xf32, #tpu.memory_space<hbm>> -> memref<10000x128xf32, #tpu.memory_space<hbm>>
    tpu.wait_indirect_dma semaphore(%arg11 : memref<!tpu.dma_semaphore, #tpu.memory_space<semaphore_mem>>) src(%dma_wait3A_58 : memref<10000x128xf32, #tpu.memory_space<hbm>>) dst(%arg8 : memref<80x128xf32, #tpu.memory_space<vmem>>)
    %run_scoped3A = arith.constant 124 : i32
    %run_scoped3A_59 = arith.constant 0 : i32
    "tpu.region"() ({
      %run_scoped3A_63 = tpu.sem_alloc : memref<!tpu.dma_semaphore, #tpu.memory_space<semaphore_mem>>
      %dma_start3A_64 = arith.constant 0 : i32
      %dma_start3A_65 = tpu.memref_slice %arg7[%run_scoped3A, %run_scoped3A_59, %dma_start3A_64] : memref<125x1x80xi32, #tpu.memory_space<vmem>> -> memref<1x1x80xi32, #tpu.memory_space<vmem>>
      %dma_start3A_66 = tpu.memref_squeeze %dma_start3A_65 : memref<1x1x80xi32, #tpu.memory_space<vmem>> -> memref<80xi32, #tpu.memory_space<vmem>>
      %dma_start3A_67 = arith.constant 0 : i32
      %dma_start3A_68 = arith.constant 0 : i32
      %dma_start3A_69 = tpu.memref_slice %arg10[%dma_start3A_67, %dma_start3A_68] : memref<10240x128xf32, #tpu.memory_space<vmem_shared>> -> memref<10240x128xf32, #tpu.memory_space<vmem_shared>>
      tpu.enqueue_indirect_dma source(%arg8 : memref<80x128xf32, #tpu.memory_space<vmem>>) target(%dma_start3A_69 : memref<10240x128xf32, #tpu.memory_space<vmem_shared>>) offsets(%dma_start3A_66 : memref<80xi32, #tpu.memory_space<vmem>>) semaphore(%run_scoped3A_63 : memref<!tpu.dma_semaphore, #tpu.memory_space<semaphore_mem>>) {add = true}
      %dma_wait3A_70 = arith.constant 0 : i32
      %dma_wait3A_71 = tpu.memref_slice %arg7[%run_scoped3A, %run_scoped3A_59, %dma_wait3A_70] : memref<125x1x80xi32, #tpu.memory_space<vmem>> -> memref<1x1x80xi32, #tpu.memory_space<vmem>>
      %dma_wait3A_72 = tpu.memref_squeeze %dma_wait3A_71 : memref<1x1x80xi32, #tpu.memory_space<vmem>> -> memref<80xi32, #tpu.memory_space<vmem>>
      %dma_wait3A_73 = arith.constant 0 : i32
      %dma_wait3A_74 = arith.constant 0 : i32
      %dma_wait3A_75 = tpu.memref_slice %arg10[%dma_wait3A_73, %dma_wait3A_74] : memref<10240x128xf32, #tpu.memory_space<vmem_shared>> -> memref<10240x128xf32, #tpu.memory_space<vmem_shared>>
      tpu.wait_indirect_dma semaphore(%run_scoped3A_63 : memref<!tpu.dma_semaphore, #tpu.memory_space<semaphore_mem>>) src(%arg8 : memref<80x128xf32, #tpu.memory_space<vmem>>) dst(%dma_wait3A_75 : memref<10240x128xf32, #tpu.memory_space<vmem_shared>>)
      tpu.yield
    }) : () -> ()
    %barrier3A_60 = arith.constant 0 : index
    tpu.barrier barrier_id(%barrier3A_60)
    %mul3A_61 = arith.constant 640 : i32
    %mul3A_62 = arith.muli %arg1, %mul3A_61 : i32
    "tpu.region"() ({
      %run_scoped3A_63 = tpu.sem_alloc : memref<!tpu.dma_semaphore, #tpu.memory_space<semaphore_mem>>
      %dma_start3A_64 = arith.constant 0 : i32
      %dma_start3A_65 = tpu.memref_slice %arg5[%arg0, %mul3A_62, %dma_start3A_64] : memref<2x10240x128xf32, #tpu.memory_space<hbm>> -> memref<1x640x128xf32, #tpu.memory_space<hbm>>
      %dma_start3A_66 = tpu.memref_squeeze %dma_start3A_65 : memref<1x640x128xf32, #tpu.memory_space<hbm>> -> memref<640x128xf32, #tpu.memory_space<hbm>>
      %dma_start3A_67 = arith.constant 0 : i32
      %dma_start3A_68 = tpu.memref_slice %arg10[%mul3A_62, %dma_start3A_67] : memref<10240x128xf32, #tpu.memory_space<vmem_shared>> -> memref<640x128xf32, #tpu.memory_space<vmem_shared>>
      tpu.enqueue_dma source(%dma_start3A_68 : memref<640x128xf32, #tpu.memory_space<vmem_shared>>) target(%dma_start3A_66 : memref<640x128xf32, #tpu.memory_space<hbm>>) target_semaphore(%run_scoped3A_63 : memref<!tpu.dma_semaphore, #tpu.memory_space<semaphore_mem>>)
      %dma_wait3A_69 = arith.constant 0 : i32
      %dma_wait3A_70 = tpu.memref_slice %arg5[%arg0, %mul3A_62, %dma_wait3A_69] : memref<2x10240x128xf32, #tpu.memory_space<hbm>> -> memref<1x640x128xf32, #tpu.memory_space<hbm>>
      %dma_wait3A_71 = tpu.memref_squeeze %dma_wait3A_70 : memref<1x640x128xf32, #tpu.memory_space<hbm>> -> memref<640x128xf32, #tpu.memory_space<hbm>>
      %dma_wait3A_72 = arith.constant 0 : i32
      %dma_wait3A_73 = tpu.memref_slice %arg10[%mul3A_62, %dma_wait3A_72] : memref<10240x128xf32, #tpu.memory_space<vmem_shared>> -> memref<640x128xf32, #tpu.memory_space<vmem_shared>>
      tpu.wait_dma2 semaphore(%run_scoped3A_63 : memref<!tpu.dma_semaphore, #tpu.memory_space<semaphore_mem>>) src(%dma_wait3A_73 : memref<640x128xf32, #tpu.memory_space<vmem_shared>>) dst(%dma_wait3A_71 : memref<640x128xf32, #tpu.memory_space<hbm>>)
      tpu.yield
    }) : () -> ()
    return
  }
}

module attributes {stable_mosaic.version = 14 : i64} {
  func.func @_dense1m_body(%arg0: i32, %arg1: memref<400x128xf32, #tpu.memory_space<vmem>>, %arg2: memref<128x128xf32, #tpu.memory_space<vmem>>, %arg3: memref<400x128xf32, #tpu.memory_space<vmem>>) attributes {dimension_semantics = [#tpu.dimension_semantics<arbitrary>], iteration_bounds = array<i64: 25>, scalar_prefetch = 0 : i64, scratch_operands = 0 : i64, tpu.core_type = #tpu.core_type<tc>, window_params = [{transform_indices = @transform_0, window_bounds = array<i64: 400, 128>}, {pipeline_mode = #tpu.pipeline_mode<synchronous>, transform_indices = @transform_1, window_bounds = array<i64: 128, 128>}, {transform_indices = @transform_2, window_bounds = array<i64: 400, 128>}]} {
    %get3A = arith.constant 0 : index
    %get3A_0 = arith.constant 0 : index
    %get3A_1 = vector.load %arg1[%get3A, %get3A_0] : memref<400x128xf32, #tpu.memory_space<vmem>>, vector<400x128xf32>
    %get3A_2 = arith.constant 0 : index
    %get3A_3 = arith.constant 0 : index
    %get3A_4 = vector.load %arg2[%get3A_2, %get3A_3] : memref<128x128xf32, #tpu.memory_space<vmem>>, vector<128x128xf32>
    %dot_general3A = arith.constant dense<0.000000e+00> : vector<400x128xf32>
    %dot_general3A_5 = tpu.matmul %get3A_1, %get3A_4, %dot_general3A {dimension_numbers = #tpu.dot_dimension_numbers<[1], [0], [0], [1], [0, 0, 1, 1], [], []>, transpose_lhs_hint = false} : vector<400x128xf32>, vector<128x128xf32>, vector<400x128xf32> -> vector<400x128xf32>
    %swap3A = arith.constant 0 : index
    %swap3A_6 = arith.constant 0 : index
    %swap3A_7 = vector.load %arg3[%swap3A, %swap3A_6] : memref<400x128xf32, #tpu.memory_space<vmem>>, vector<400x128xf32>
    tpu.vector_store %arg3[%swap3A, %swap3A_6], %dot_general3A_5 {strides = array<i32>} : memref<400x128xf32, #tpu.memory_space<vmem>>, vector<400x128xf32>,
    return
  }
  func.func @transform_0(%arg0: i32) -> (i32, i32) {
    %c0_i32 = arith.constant 0 : i32
    %c0_i32_0 = arith.constant 0 : i32
    return %arg0, %c0_i32 : i32, i32
  }
  func.func @transform_1(%arg0: i32) -> (i32, i32) {
    %c0_i32 = arith.constant 0 : i32
    %c0_i32_0 = arith.constant 0 : i32
    %c0_i32_1 = arith.constant 0 : i32
    return %c0_i32, %c0_i32_0 : i32, i32
  }
  func.func @transform_2(%arg0: i32) -> (i32, i32) {
    %c0_i32 = arith.constant 0 : i32
    %c0_i32_0 = arith.constant 0 : i32
    return %arg0, %c0_i32 : i32, i32
  }
}

module attributes {stable_mosaic.version = 14 : i64} {
  func.func @_dense1s_body(%arg0: i32, %arg1: memref<400x128xf32, #tpu.memory_space<vmem>>, %arg2: memref<400x1xf32, #tpu.memory_space<vmem>>, %arg3: memref<400x1xf32, #tpu.memory_space<vmem>>, %arg4: memref<400x128xf32, #tpu.memory_space<vmem>>, %arg5: memref<400x1xf32, #tpu.memory_space<vmem>>) attributes {dimension_semantics = [#tpu.dimension_semantics<arbitrary>], iteration_bounds = array<i64: 25>, scalar_prefetch = 0 : i64, scratch_operands = 0 : i64, tpu.core_type = #tpu.core_type<tc>, window_params = [{transform_indices = @transform_0, window_bounds = array<i64: 400, 128>}, {transform_indices = @transform_1, window_bounds = array<i64: 400, 1>}, {transform_indices = @transform_2, window_bounds = array<i64: 400, 1>}, {transform_indices = @transform_3, window_bounds = array<i64: 400, 128>}, {transform_indices = @transform_4, window_bounds = array<i64: 400, 1>}]} {
    %get3A = arith.constant 0 : index
    %get3A_0 = arith.constant 0 : index
    %get3A_1 = vector.load %arg2[%get3A, %get3A_0] : memref<400x1xf32, #tpu.memory_space<vmem>>, vector<400x1xf32>
    %get3A_2 = arith.constant 0 : index
    %get3A_3 = arith.constant 0 : index
    %get3A_4 = vector.load %arg3[%get3A_2, %get3A_3] : memref<400x1xf32, #tpu.memory_space<vmem>>, vector<400x1xf32>
    %add3A = arith.addf %get3A_1, %get3A_4 : vector<400x1xf32>
    %add3A_5 = arith.constant 1.000000e+00 : f32
    %add3A_6 = vector.broadcast %add3A_5 : f32 to vector<400x1xf32>
    %add3A_7 = arith.addf %add3A, %add3A_6 : vector<400x1xf32>
    %rsqrt3A = math.rsqrt %add3A_7 : vector<400x1xf32>
    %swap3A = arith.constant 0 : index
    %swap3A_8 = arith.constant 0 : index
    %swap3A_9 = vector.load %arg5[%swap3A, %swap3A_8] : memref<400x1xf32, #tpu.memory_space<vmem>>, vector<400x1xf32>
    tpu.vector_store %arg5[%swap3A, %swap3A_8], %rsqrt3A {strides = array<i32>} : memref<400x1xf32, #tpu.memory_space<vmem>>, vector<400x1xf32>,
    %get3A_10 = arith.constant 0 : index
    %get3A_11 = arith.constant 0 : index
    %get3A_12 = vector.load %arg1[%get3A_10, %get3A_11] : memref<400x128xf32, #tpu.memory_space<vmem>>, vector<400x128xf32>
    %mul3A = vector.broadcast %rsqrt3A : vector<400x1xf32> to vector<400x128xf32>
    %mul3A_13 = arith.mulf %get3A_12, %mul3A : vector<400x128xf32>
    %swap3A_14 = arith.constant 0 : index
    %swap3A_15 = arith.constant 0 : index
    %swap3A_16 = vector.load %arg4[%swap3A_14, %swap3A_15] : memref<400x128xf32, #tpu.memory_space<vmem>>, vector<400x128xf32>
    tpu.vector_store %arg4[%swap3A_14, %swap3A_15], %mul3A_13 {strides = array<i32>} : memref<400x128xf32, #tpu.memory_space<vmem>>, vector<400x128xf32>,
    return
  }
  func.func @transform_0(%arg0: i32) -> (i32, i32) {
    %c0_i32 = arith.constant 0 : i32
    %c0_i32_0 = arith.constant 0 : i32
    return %arg0, %c0_i32 : i32, i32
  }
  func.func @transform_1(%arg0: i32) -> (i32, i32) {
    %c0_i32 = arith.constant 0 : i32
    %c0_i32_0 = arith.constant 0 : i32
    return %arg0, %c0_i32 : i32, i32
  }
  func.func @transform_2(%arg0: i32) -> (i32, i32) {
    %c0_i32 = arith.constant 0 : i32
    %c0_i32_0 = arith.constant 0 : i32
    return %arg0, %c0_i32 : i32, i32
  }
  func.func @transform_3(%arg0: i32) -> (i32, i32) {
    %c0_i32 = arith.constant 0 : i32
    %c0_i32_0 = arith.constant 0 : i32
    return %arg0, %c0_i32 : i32, i32
  }
  func.func @transform_4(%arg0: i32) -> (i32, i32) {
    %c0_i32 = arith.constant 0 : i32
    %c0_i32_0 = arith.constant 0 : i32
    return %arg0, %c0_i32 : i32, i32
  }
}

module attributes {stable_mosaic.version = 14 : i64} {
  func.func @_dense2_body(%arg0: i32, %arg1: memref<1x400x128xf32, #tpu.memory_space<vmem>>, %arg2: memref<1x400x128xf32, #tpu.memory_space<vmem>>, %arg3: memref<400x128xf32, #tpu.memory_space<vmem>>, %arg4: memref<400x1xf32, #tpu.memory_space<vmem>>, %arg5: memref<1x128xf32, #tpu.memory_space<vmem>>, %arg6: memref<128x64xf32, #tpu.memory_space<vmem>>, %arg7: memref<400x128xf32, #tpu.memory_space<vmem>>) attributes {dimension_semantics = [#tpu.dimension_semantics<arbitrary>], iteration_bounds = array<i64: 25>, scalar_prefetch = 0 : i64, scratch_operands = 0 : i64, tpu.core_type = #tpu.core_type<tc>, window_params = [{transform_indices = @transform_0, window_bounds = array<i64: 1, 400, 128>}, {transform_indices = @transform_1, window_bounds = array<i64: 1, 400, 128>}, {transform_indices = @transform_2, window_bounds = array<i64: 400, 128>}, {transform_indices = @transform_3, window_bounds = array<i64: 400, 1>}, {pipeline_mode = #tpu.pipeline_mode<synchronous>, transform_indices = @transform_4, window_bounds = array<i64: 1, 128>}, {pipeline_mode = #tpu.pipeline_mode<synchronous>, transform_indices = @transform_5, window_bounds = array<i64: 128, 64>}, {transform_indices = @transform_6, window_bounds = array<i64: 400, 128>}]} {
    %get3A = arith.constant 0 : index
    %get3A_0 = arith.constant 0 : index
    %get3A_1 = vector.load %arg4[%get3A, %get3A_0] : memref<400x1xf32, #tpu.memory_space<vmem>>, vector<400x1xf32>
    %get3A_2 = arith.constant 0 : index
    %get3A_3 = arith.constant 0 : index
    %get3A_4 = arith.constant 0 : index
    %get3A_5 = vector.load %arg1[%get3A_2, %get3A_3, %get3A_4] : memref<1x400x128xf32, #tpu.memory_space<vmem>>, vector<1x400x128xf32>
    %get3A_6 = vector.shape_cast %get3A_5 : vector<1x400x128xf32> to vector<400x128xf32>
    %get3A_7 = arith.constant 0 : index
    %get3A_8 = arith.constant 0 : index
    %get3A_9 = arith.constant 0 : index
    %get3A_10 = vector.load %arg2[%get3A_7, %get3A_8, %get3A_9] : memref<1x400x128xf32, #tpu.memory_space<vmem>>, vector<1x400x128xf32>
    %get3A_11 = vector.shape_cast %get3A_10 : vector<1x400x128xf32> to vector<400x128xf32>
    %add3A = arith.addf %get3A_6, %get3A_11 : vector<400x128xf32>
    %get3A_12 = arith.constant 0 : index
    %get3A_13 = arith.constant 0 : index
    %get3A_14 = vector.load %arg3[%get3A_12, %get3A_13] : memref<400x128xf32, #tpu.memory_space<vmem>>, vector<400x128xf32>
    %add3A_15 = arith.addf %add3A, %get3A_14 : vector<400x128xf32>
    %mul3A = vector.broadcast %get3A_1 : vector<400x1xf32> to vector<400x128xf32>
    %mul3A_16 = arith.mulf %mul3A, %add3A_15 : vector<400x128xf32>
    %get3A_17 = arith.constant 0 : index
    %get3A_18 = arith.constant 0 : index
    %get3A_19 = vector.load %arg5[%get3A_17, %get3A_18] : memref<1x128xf32, #tpu.memory_space<vmem>>, vector<1x128xf32>
    %add3A_20 = vector.broadcast %get3A_19 : vector<1x128xf32> to vector<400x128xf32>
    %add3A_21 = arith.addf %mul3A_16, %add3A_20 : vector<400x128xf32>
    %max3A = arith.constant 0.000000e+00 : f32
    %max3A_22 = vector.broadcast %max3A : f32 to vector<400x128xf32>
    %max3A_23 = arith.maximumf %add3A_21, %max3A_22 : vector<400x128xf32>
    %get3A_24 = arith.constant 0 : index
    %get3A_25 = arith.constant 0 : index
    %get3A_26 = vector.load %arg6[%get3A_24, %get3A_25] : memref<128x64xf32, #tpu.memory_space<vmem>>, vector<128x64xf32>
    %dot_general3A = arith.constant dense<0.000000e+00> : vector<400x64xf32>
    %dot_general3A_27 = tpu.matmul %max3A_23, %get3A_26, %dot_general3A {dimension_numbers = #tpu.dot_dimension_numbers<[1], [0], [0], [1], [0, 0, 1, 1], [], []>, transpose_lhs_hint = false} : vector<400x128xf32>, vector<128x64xf32>, vector<400x64xf32> -> vector<400x64xf32>
    %mul3A_28 = vector.broadcast %get3A_1 : vector<400x1xf32> to vector<400x64xf32>
    %mul3A_29 = arith.mulf %dot_general3A_27, %mul3A_28 : vector<400x64xf32>
    %broadcast_in_dim3A = arith.constant 0.000000e+00 : f32
    %broadcast_in_dim3A_30 = vector.broadcast %broadcast_in_dim3A : f32 to vector<400x64xf32>
    %concatenate3A = tpu.concatenate %mul3A_29, %broadcast_in_dim3A_30 in 1 : vector<400x64xf32>, vector<400x64xf32> -> vector<400x128xf32>
    %swap3A = arith.constant 0 : index
    %swap3A_31 = arith.constant 0 : index
    %swap3A_32 = vector.load %arg7[%swap3A, %swap3A_31] : memref<400x128xf32, #tpu.memory_space<vmem>>, vector<400x128xf32>
    tpu.vector_store %arg7[%swap3A, %swap3A_31], %concatenate3A {strides = array<i32>} : memref<400x128xf32, #tpu.memory_space<vmem>>, vector<400x128xf32>,
    return
  }
  func.func @transform_0(%arg0: i32) -> (i32, i32, i32) {
    %c0_i32 = arith.constant 0 : i32
    %c0_i32_0 = arith.constant 0 : i32
    %c0_i32_1 = arith.constant 0 : i32
    return %c0_i32, %arg0, %c0_i32_0 : i32, i32, i32
  }
  func.func @transform_1(%arg0: i32) -> (i32, i32, i32) {
    %c1_i32 = arith.constant 1 : i32
    %c0_i32 = arith.constant 0 : i32
    %c0_i32_0 = arith.constant 0 : i32
    return %c1_i32, %arg0, %c0_i32 : i32, i32, i32
  }
  func.func @transform_2(%arg0: i32) -> (i32, i32) {
    %c0_i32 = arith.constant 0 : i32
    %c0_i32_0 = arith.constant 0 : i32
    return %arg0, %c0_i32 : i32, i32
  }
  func.func @transform_3(%arg0: i32) -> (i32, i32) {
    %c0_i32 = arith.constant 0 : i32
    %c0_i32_0 = arith.constant 0 : i32
    return %arg0, %c0_i32 : i32, i32
  }
  func.func @transform_4(%arg0: i32) -> (i32, i32) {
    %c0_i32 = arith.constant 0 : i32
    %c0_i32_0 = arith.constant 0 : i32
    %c0_i32_1 = arith.constant 0 : i32
    return %c0_i32, %c0_i32_0 : i32, i32
  }
  func.func @transform_5(%arg0: i32) -> (i32, i32) {
    %c0_i32 = arith.constant 0 : i32
    %c0_i32_0 = arith.constant 0 : i32
    %c0_i32_1 = arith.constant 0 : i32
    return %c0_i32, %c0_i32_0 : i32, i32
  }
  func.func @transform_6(%arg0: i32) -> (i32, i32) {
    %c0_i32 = arith.constant 0 : i32
    %c0_i32_0 = arith.constant 0 : i32
    return %arg0, %c0_i32 : i32, i32
  }
}

module attributes {stable_mosaic.version = 14 : i64} {
  func.func @_dense3_body(%arg0: i32, %arg1: memref<1x400x128xf32, #tpu.memory_space<vmem>>, %arg2: memref<1x400x128xf32, #tpu.memory_space<vmem>>, %arg3: memref<400x128xf32, #tpu.memory_space<vmem>>, %arg4: memref<400x1xf32, #tpu.memory_space<vmem>>, %arg5: memref<1x64xf32, #tpu.memory_space<vmem>>, %arg6: memref<400x64xf32, #tpu.memory_space<vmem>>) attributes {dimension_semantics = [#tpu.dimension_semantics<arbitrary>], iteration_bounds = array<i64: 25>, scalar_prefetch = 0 : i64, scratch_operands = 0 : i64, tpu.core_type = #tpu.core_type<tc>, window_params = [{transform_indices = @transform_0, window_bounds = array<i64: 1, 400, 128>}, {transform_indices = @transform_1, window_bounds = array<i64: 1, 400, 128>}, {transform_indices = @transform_2, window_bounds = array<i64: 400, 128>}, {transform_indices = @transform_3, window_bounds = array<i64: 400, 1>}, {pipeline_mode = #tpu.pipeline_mode<synchronous>, transform_indices = @transform_4, window_bounds = array<i64: 1, 64>}, {transform_indices = @transform_5, window_bounds = array<i64: 400, 64>}]} {
    %get3A = arith.constant 0 : index
    %get3A_0 = arith.constant 0 : index
    %get3A_1 = arith.constant 0 : index
    %get3A_2 = vector.load %arg1[%get3A, %get3A_0, %get3A_1] : memref<1x400x128xf32, #tpu.memory_space<vmem>>, vector<1x400x128xf32>
    %get3A_3 = vector.shape_cast %get3A_2 : vector<1x400x128xf32> to vector<400x128xf32>
    %get3A_4 = arith.constant 0 : index
    %get3A_5 = arith.constant 0 : index
    %get3A_6 = arith.constant 0 : index
    %get3A_7 = vector.load %arg2[%get3A_4, %get3A_5, %get3A_6] : memref<1x400x128xf32, #tpu.memory_space<vmem>>, vector<1x400x128xf32>
    %get3A_8 = vector.shape_cast %get3A_7 : vector<1x400x128xf32> to vector<400x128xf32>
    %add3A = arith.addf %get3A_3, %get3A_8 : vector<400x128xf32>
    %get3A_9 = arith.constant 0 : index
    %get3A_10 = arith.constant 0 : index
    %get3A_11 = vector.load %arg3[%get3A_9, %get3A_10] : memref<400x128xf32, #tpu.memory_space<vmem>>, vector<400x128xf32>
    %add3A_12 = arith.addf %add3A, %get3A_11 : vector<400x128xf32>
    %slice3A = vector.extract_strided_slice %add3A_12 {offsets = [0, 0], sizes = [400, 64], strides = [1, 1]} : vector<400x128xf32> to vector<400x64xf32>
    %get3A_13 = arith.constant 0 : index
    %get3A_14 = arith.constant 0 : index
    %get3A_15 = vector.load %arg4[%get3A_13, %get3A_14] : memref<400x1xf32, #tpu.memory_space<vmem>>, vector<400x1xf32>
    %mul3A = vector.broadcast %get3A_15 : vector<400x1xf32> to vector<400x64xf32>
    %mul3A_16 = arith.mulf %mul3A, %slice3A : vector<400x64xf32>
    %get3A_17 = arith.constant 0 : index
    %get3A_18 = arith.constant 0 : index
    %get3A_19 = vector.load %arg5[%get3A_17, %get3A_18] : memref<1x64xf32, #tpu.memory_space<vmem>>, vector<1x64xf32>
    %add3A_20 = vector.broadcast %get3A_19 : vector<1x64xf32> to vector<400x64xf32>
    %add3A_21 = arith.addf %mul3A_16, %add3A_20 : vector<400x64xf32>
    %max3A = arith.constant 0.000000e+00 : f32
    %max3A_22 = vector.broadcast %max3A : f32 to vector<400x64xf32>
    %max3A_23 = arith.maximumf %add3A_21, %max3A_22 : vector<400x64xf32>
    %swap3A = arith.constant 0 : index
    %swap3A_24 = arith.constant 0 : index
    %swap3A_25 = vector.load %arg6[%swap3A, %swap3A_24] : memref<400x64xf32, #tpu.memory_space<vmem>>, vector<400x64xf32>
    tpu.vector_store %arg6[%swap3A, %swap3A_24], %max3A_23 {strides = array<i32>} : memref<400x64xf32, #tpu.memory_space<vmem>>, vector<400x64xf32>,
    return
  }
  func.func @transform_0(%arg0: i32) -> (i32, i32, i32) {
    %c0_i32 = arith.constant 0 : i32
    %c0_i32_0 = arith.constant 0 : i32
    %c0_i32_1 = arith.constant 0 : i32
    return %c0_i32, %arg0, %c0_i32_0 : i32, i32, i32
  }
  func.func @transform_1(%arg0: i32) -> (i32, i32, i32) {
    %c1_i32 = arith.constant 1 : i32
    %c0_i32 = arith.constant 0 : i32
    %c0_i32_0 = arith.constant 0 : i32
    return %c1_i32, %arg0, %c0_i32 : i32, i32, i32
  }
  func.func @transform_2(%arg0: i32) -> (i32, i32) {
    %c0_i32 = arith.constant 0 : i32
    %c0_i32_0 = arith.constant 0 : i32
    return %arg0, %c0_i32 : i32, i32
  }
  func.func @transform_3(%arg0: i32) -> (i32, i32) {
    %c0_i32 = arith.constant 0 : i32
    %c0_i32_0 = arith.constant 0 : i32
    return %arg0, %c0_i32 : i32, i32
  }
  func.func @transform_4(%arg0: i32) -> (i32, i32) {
    %c0_i32 = arith.constant 0 : i32
    %c0_i32_0 = arith.constant 0 : i32
    %c0_i32_1 = arith.constant 0 : i32
    return %c0_i32, %c0_i32_0 : i32, i32
  }
  func.func @transform_5(%arg0: i32) -> (i32, i32) {
    %c0_i32 = arith.constant 0 : i32
    %c0_i32_0 = arith.constant 0 : i32
    return %arg0, %c0_i32 : i32, i32
  }
}

</mosaic_0001>

<sc_bundles>
// kernel: kernel.12.cloned.1.call-start
scs
__scs_entry_jumppad:
0x0: {  	(pc) =	sbr.rel $0x88, $3  }
0x1: {  	(tag) =	ssettag $0x0;
	lr =	simm.s32 $0x1  }
0x2: {  	[smem:$0x3F9B] =	sst lr;
	_ =	strace $0xD0000000  }
0x3: {  	_ = 	snop  }
0x4: {  	_ = 	snop  }
0x5: {  	_ = 	snop  }
0x6: {  	_ = 	snop  }
0x7: {  	_ = 	snop  }
__scs_overlays_trampoline_lowered:
0x8: {  	[smem:$0x3FAA] =	sst s0  }
0x9: {  	[smem:$0x3FAB] =	sst s1  }
0xa: {  	[smem:$0x3FAC] =	sst s2  }
0xb: {  	[smem:$0x3FAD] =	sst s3  }
0xc: {  	[smem:$0x3FAE] =	sst s4  }
0xd: {  	[smem:$0x3FAF] =	sst s5  }
0xe: {  	[smem:$0x3FB0] =	sst s6  }
0xf: {  	[smem:$0x3FB1] =	sst s7  }
0x10: {  	[smem:$0x3FB2] =	sst s8  }
0x11: {  	[smem:$0x3FB3] =	sst s9;
	s0 =	simm.s32 @!p0 $0x0  }
0x12: {  	s1 =	sld [smem:$0x3F99];
	s0 =	simm.s32 @p0 $0x1  }
0x13: {  	[smem:$0x3FB4] =	sst s0;
	s0 =	simm.s32 @!p1 $0x0  }
0x14: {  	s2 =	sld [smem:$0x3F98];
	s0 =	simm.s32 @p1 $0x1  }
0x15: {  	[smem:$0x3FB5] =	sst s0;
	s0 =	simm.s32 @!p2 $0x0  }
0x16: {  	s3 =	sld [smem:$0x3FDB];
	s0 =	simm.s32 @p2 $0x1  }
0x17: {  	s4 =	simm.s32 $0x1BF5;
	[smem:$0x3FB7] =	sst s0  }
0x18: {  	s0 =	sld [smem:$0x3F9A];
	_ =	swait.ge [sflag:s4], $0x0  }
0x19: {  	s7 =	sld [smem:$0x3F9B]  }
0x1a: {  	s8 =	sadd.s32 $0xFFFFE003, lr  }
0x1b: {  	s9 =	sadd.s32 $0xFFFFFEF7, lr;
	s5 =	simm.s32 $0xFFFFFFFF;
	p2 =	slt.u32 s8, $0xFFFFF086  }
0x1c: {  	p1 =	slt.u32 s9, $0xF7A;
	s5 =	simm.s32 @!p2 $0x0  }
0x1d: {  	s5 =	simm.s32 @p1 $0x1;
	p0 =	seq.s32 s7, s2  }
0x1e: {  	s7 =	smul.u32 @!p0 $0xF7A, s2;
	p2 =	seq.s32 @!p0 s5, $0x0  }
0x1f: {  	s9 =	smul.u32 $0xF7A, s1;
	s8 =	simm.s32 @!p0 $0x1BF5;
	p2 =	por !p2, p0  }
0x20: {  	[sflag:s8] =	ssyncset.s32 @!p0 $0xFFFFF086;
	s6 =	sadd.s32 @!p0 s3, s7;
	s7 =	simm.s32 @!p0 $0x108  }
0x21: {  	s3 =	sadd.s32 s3, s9;
	s6 =	sadd.s32 @!p0 $0x88, s6;
	s7 =	simm.s32 @p2 $0x1082  }
0x22: {  	[simem:s7], [sflag:s8] =	dma.local @!p0 [hbm:s6], $0xF7A  }
0x23: {  	s9 =	sor.u32 $0xD0000000, s2;
	s6 =	simm.s32 $0x108;
	_ =	swait.ge @!p0 [sflag:s8], $0x0  }
0x24: {  	s3 =	sadd.s32 $0x88, s3;
	s6 =	simm.s32 @!p1 $0x1082;
	[sflag:s4] =	ssyncset.s32 $0xFFFFF086  }
0x25: {  	[simem:s6], [sflag:s4] =	dma.local [hbm:s3], $0xF7A  }
0x26: {  	[smem:$0x3F9B] =	sst s1;
	(tag) =	ssettag s2;
	_ =	strace s9  }
0x27: {  	s1 =	sld [smem:$0x3FAB]  }
0x28: {  	s2 =	sld [smem:$0x3FAC]  }
0x29: {  	s4 =	sld [smem:$0x3FAE]  }
0x2a: {  	p0 =	seq.s32 s5, $0x0;
	s5 =	sld [smem:$0x3FAF]  }
0x2b: {  	s6 =	sld [smem:$0x3FB0]  }
0x2c: {  	s7 =	sld [smem:$0x3FB1]  }
0x2d: {  	s3 =	simm.s32 $0x108;
	s8 =	sld [smem:$0x3FB2]  }
0x2e: {  	s3 =	simm.s32 @!p0 $0x1082;
	s9 =	sld [smem:$0x3FB3]  }
0x2f: {  	lr =	sadd.s32 s0, s3;
	s0 =	sld [smem:$0x3FAA]  }
0x30: {  	s3 =	sld [smem:$0x3FAD]  }
0x31: {  	[smem:$0x3FB6] =	sst s10  }
0x32: {  	s10 =	sld [smem:$0x3FB4];
	_ =	sdelay $0x3  }
0x33: {  	p0 =	seq.s32 s10, $0x1;
	s10 =	sld [smem:$0x3FB6];
	_ =	sdelay $0x3  }
0x34: {  	[smem:$0x3FB6] =	sst s10  }
0x35: {  	s10 =	sld [smem:$0x3FB5];
	_ =	sdelay $0x3  }
0x36: {  	p1 =	seq.s32 s10, $0x1;
	s10 =	sld [smem:$0x3FB6];
	_ =	sdelay $0x3  }
0x37: {  	[smem:$0x3FB6] =	sst s10  }
0x38: {  	s10 =	sld [smem:$0x3FB7]  }
0x39: {  	_ = 	snop;
	(pc) =	sbr.ind lr, $3  }
0x3a: {  	_ = 	snop  }
0x3b: {  	_ = 	snop  }
0x3c: {  	p2 =	seq.s32 s10, $0x1;
	s10 =	sld [smem:$0x3FB6]  }
0x3d: {  	_ =	shalt  }
0x3e: {  	_ =	shalt  }
0x3f: {  	_ =	shalt  }
0x40: {  	_ =	shalt  }
0x41: {  	_ =	shalt  }
0x42: {  	_ =	shalt  }
0x43: {  	_ =	shalt  }
0x44: {  	_ =	shalt  }
0x45: {  	_ =	shalt  }
0x46: {  	_ =	shalt  }
0x47: {  	_ =	shalt  }
0x48: {  	_ =	shalt  }
0x49: {  	_ =	shalt  }
0x4a: {  	_ =	shalt  }
0x4b: {  	_ =	shalt  }
0x4c: {  	_ =	shalt  }
0x4d: {  	_ =	shalt  }
0x4e: {  	_ =	shalt  }
0x4f: {  	_ =	shalt  }
0x50: {  	_ =	shalt  }
0x51: {  	_ =	shalt  }
0x52: {  	_ =	shalt  }
0x53: {  	_ =	shalt  }
0x54: {  	_ =	shalt  }
0x55: {  	_ =	shalt  }
0x56: {  	_ =	shalt  }
0x57: {  	_ =	shalt  }
0x58: {  	_ =	shalt  }
0x59: {  	_ =	shalt  }
0x5a: {  	_ =	shalt  }
0x5b: {  	_ =	shalt  }
0x5c: {  	_ =	shalt  }
0x5d: {  	_ =	shalt  }
0x5e: {  	_ =	shalt  }
0x5f: {  	_ =	shalt  }
0x60: {  	_ =	shalt  }
0x61: {  	_ =	shalt  }
0x62: {  	_ =	shalt  }
0x63: {  	_ =	shalt  }
0x64: {  	_ =	shalt  }
0x65: {  	_ =	shalt  }
0x66: {  	_ =	shalt  }
0x67: {  	_ =	shalt  }
0x68: {  	_ =	shalt  }
0x69: {  	_ =	shalt  }
0x6a: {  	_ =	shalt  }
0x6b: {  	_ =	shalt  }
0x6c: {  	_ =	shalt  }
0x6d: {  	_ =	shalt  }
0x6e: {  	_ =	shalt  }
0x6f: {  	_ =	shalt  }
0x70: {  	_ =	shalt  }
0x71: {  	_ =	shalt  }
0x72: {  	_ =	shalt  }
0x73: {  	_ =	shalt  }
0x74: {  	_ =	shalt  }
0x75: {  	_ =	shalt  }
0x76: {  	_ =	shalt  }
0x77: {  	_ =	shalt  }
0x78: {  	_ =	shalt  }
0x79: {  	_ =	shalt  }
0x7a: {  	_ =	shalt  }
0x7b: {  	_ =	shalt  }
0x7c: {  	_ =	shalt  }
0x7d: {  	_ =	shalt  }
0x7e: {  	_ =	shalt  }
0x7f: {  	_ =	shalt  }
0x80: {  	_ =	shalt  }
0x81: {  	_ =	shalt  }
0x82: {  	_ =	shalt  }
0x83: {  	_ =	shalt  }
0x84: {  	_ =	shalt  }
0x85: {  	_ =	shalt  }
0x86: {  	_ =	shalt  }
0x87: {  	_ =	shalt  }
.Lfunc_end0:
.L_simem_size_0:
called_computation.1_lowered:
.L_overlay_start_0:
0x88: {  	s2 =	sld [smem:$0x3FD9]  }
0x89: {  	s3 =	sld [smem:$0x3FFE];
	_ =	sdelay $0x1  }
0x8a: {  	s1 =	srdreg.scid  }
0x8b: {  	s0 =	sand.u32 $0x1, s1  }
0x8c: {  	s17 =	sshll.u32 s0, $0xA;
	s2 =	sadd.s32 s3, s2  }
0x8d: {  	s2 =	sadd.s32 s2, s17  }
0x8e: {  	[smem:$0x3FC2] =	sst s2  }
0x8f: {  	_ = 	snop  }
0x90: {  	s2 =	sld [smem:$0x3FD0];
	(tm) =	ssettm $0x1  }
0x91: {  	s18 =	sld [smem:$0x3FFB];
	_ =	sdelay $0x3  }
0x92: {  	_ =	strace s18  }
0x93: {  	s3 =	sld [smem:$0x3FFC];
	_ =	sdelay $0x3  }
0x94: {  	_ =	strace s3  }
0x95: {  	s3 =	sld [smem:$0x3FFD];
	_ =	sdelay $0x3  }
0x96: {  	_ =	strace s3  }
0x97: {  	_ =	strace $0x8FFFFFFF  }
0x98: {  	s19 =	sld [smem:$0x3FDB];
	_ =	sdelay $0x1  }
0x99: {  	s4 =	simm.s32 $_scs_section_size  }
0x9a: {  	s5 =	simm.s32 $_size__tile_overlayer_lowered;
	s6 =	simm.s32 $_tile_overlayer_lowered  }
0x9b: {  	s22 =	simm.s32 $0x1BFF;
	s21 =	sshll.u32 s6, $0x1;
	s3 =	sadd.s32 s4, s19  }
0x9c: {  	s7 =	simm.s32 $0x0;
	s20 =	sshll.u32 s5, $0x1;
	s5 =	sadd.s32 s21, s3  }
0x9d: {  	[timem:s7], [sflag:s22] =	dma.local [hbm:s5], s20  }
0x9e: {  	_ =	swait.ge [sflag:s22], s20  }
0x9f: {  	s4 =	ssub.s32 $0x0, s20;
	[sflag:s22] =	ssyncset.done $0x0  }
0xa0: {  	[sflag:s22] =	ssyncadd.s32 s4;
	_ =	sdelay $0x1  }
0xa1: {  	s23 =	simm.s32 $0x1B8B  }
0xa2: {  	_ =	swait.ge [sflag:s23], $0x1  }
0xa3: {  	[sflag:s23] =	ssyncset.done $0x0  }
0xa4: {  	s25 =	simm.s32 $0x1B8E;
	s24 =	sld [smem:$0x3FFE];
	[sflag:s23] =	ssyncadd.s32 $0xFFFFFFFF  }
0xa5: {  	s26 =	simm.s32 $execute0_lowered;
	[smem:$0x3FD2] =	sst s25  }
0xa6: {  	s5 =	sshll.u32 s26, $0x1;
	_ =	strace $0x80000049;
	[dreg:$0x1] =	wrdreg $0xFFFFFFFF  }
0xa7: {  	s28 =	simm.s32 $_size_execute0_lowered;
	s3 =	sadd.s32 s3, s5;
	[dreg:$0x0] =	wrdreg $0x0  }
0xa8: {  	s5 =	sshll.u32 s28, $0x1;
	[dreg:$0x2] =	wrdreg s3  }
0xa9: {  	[dreg:$0x3] =	wrdreg s5  }
0xaa: {  	[dreg:$0x4] =	wrdreg $0xC0  }
0xab: {  	_ =	task [dreg:s7], $0x5FFFF  }
0xac: {  	[dreg:$0x1] =	wrdreg $0xFFFFFFFF  }
0xad: {  	[dreg:$0x0] =	wrdreg $0x60  }
0xae: {  	[dreg:$0x2] =	wrdreg s24  }
0xaf: {  	[dreg:$0x3] =	wrdreg s2  }
0xb0: {  	[dreg:$0x4] =	wrdreg $0xB6000  }
0xb1: {  	[dreg:$0x5] =	wrdreg $0x9  }
0xb2: {  	_ =	task.clear_ibuf [dreg:s7], $0x6FFFF;
	_ =	strace $0x90000049  }
0xb3: {  	s29 =	simm.s32 $0x9;
	_ =	strace $0x8000004B  }
0xb4: {  	_ =	swait.ge [sflag:s29], $0x1  }
0xb5: {  	[sflag:s29] =	ssyncadd.s32 $0xFFFFFFFF  }
0xb6: {  	_ =	strace $0x9000004B  }
0xb7: {  	_ =	sfence  }
0xb8: {  	s30 =	sld [smem:$0x0];
	_ =	sdelay $0x2  }
0xb9: {  	s31 =	sshll.u32 s1, $0xD;
	s1 =	sshrl.u32 s1, $0x2  }
0xba: {  	s3 =	sand.u32 $0x4000, s31;
	s1 =	sadd.s32 s1, s30  }
0xbb: {  	s0 =	sor.u32 s3, s0;
	s1 =	sshll.u32 s1, $0x11  }
0xbc: {  	s0 =	sor.u32 s1, s0  }
0xbd: {  	s0 =	sadd.s32 $0x8F2B, s0  }
0xbe: {  	[sflag:s0] =	ssyncadd.remote.s32 $0x1  }
0xbf: {  	_ =	sfence.sel $0xFFFF  }
0xc0: {  	[dreg:$0x0] =	wrdreg $0xFFFFFFFF;
	(pc) =	sbr.abs _section_cstart, $3  }
0xc1: {  	[dreg:$0x1] =	wrdreg $0xFFFFFFFF  }
0xc2: {  	_ =	task.clear_ibuf [dreg:s7], $0x2FFFF;
	_ =	strace $0x9FFFFFFF  }
0xc3: {  	(tm) =	ssettm $0x7FFFFFFF  }
tec
execute0_lowered:
.L_overlay_start_1:
0x0: {  	(tag) =	ssettag $0x1  }
0x1: {  	s1 =	srdreg.scid;
	s5 =	rddreg [dreg:$0x0]  }
0x2: {  	s0 =	stileid.u32;
	s14 =	rddreg [dreg:$0x1]  }
0x3: {  	s2 =	rddreg [dreg:$0x2];
	s3 =	simm.s32 $0x0;
	s18 =	simm.s32 $0x3  }
0x4: {  	s19 =	simm.s32 $0x2780;
	s20 =	simm.s32 $0x50;
	s21 =	simm.s32 $0x8E00  }
0x5: {  	s22 =	simm.s32 $0x1;
	s23 =	simm.s32 $0x2;
	s24 =	simm.s32 $0x6580  }
0x6: {  	s6 =	sand.u32 $0x1, s1;
	s1 =	rddreg [dreg:$0x3];
	s8 =	smul.u32 $0x14000, s0  }
0x7: {  	s29 =	sshll.u32 s0, $0x1;
	[smem:$0x7FF] =	sst s3;
	s9 =	smul.u32 $0x50000, s0  }
0x8: {  	s10 =	sor.u32 s6, s29;
	s7 =	smul.u32 $0x140000, s6;
	_ =	strace $0x8000004A  }
0x9: {  	s6 =	ssub.s32 $0x2, s6;
	s4 =	smul.u32 $0x4E2, s10;
	s30 =	sshrl.u32 s9, $0x2  }
0xa: {  	s31 =	sshrl.u32 s6, $0x1;
	s17 =	smul.u32 $0x7D0, s10;
	s7 =	sadd.s32 s8, s7  }
0xb: {  	s16 =	ssub.s32 s6, s31;
	s13 =	sadd.s32 s4, s5;
	s4 =	sadd.s32 $0xBE00, s5  }
0xc: {  	s7 =	sshrl.u32 s7, $0x3;
	s14 =	sadd.s32 s14, s17;
	s16 =	smax.u32 s16, $0x1  }
0xd: {  	s17 =	simm.s32 $0x6600;
	s15 =	sadd.s32 s7, s5;
	s5 =	sadd.s32 s30, s2  }
0xe: {  	s13 =	sadd.s32 $0x2000, s13;
	s6 =	sadd.s32 $0x2800, s5;
	s7 =	sadd.s32 $0x5000, s5  }
0xf: {  	s8 =	sadd.s32 $0x7800, s5;
	s9 =	sadd.s32 $0xA000, s5;
	s10 =	sadd.s32 $0xC800, s5  }
0x10: {  	v0 =	vimm.f32 $0.0e+00;
	s11 =	sadd.s32 $0xF000, s5;
	s12 =	sadd.s32 $0x11800, s5;
	s15 =	sadd.s32 $0x33000, s15  }
.LBB2_1:
0x11: {  	s25 =	simm.s32 $0x0;
	s26 =	simm.s32 $0x200  }
.LBB2_2:
0x12: {  	p0 =	sne.s32 s26, $0x9E00;
	[tilespmem:s25+$0x6670] =	vst v0  }
0x13: {  	[tilespmem:s25+$0x6600] =	vst v0  }
0x14: {  	[tilespmem:s25+$0x6610] =	vst v0  }
.Ltmp0:
0x15: {  	[tilespmem:s25+$0x6620] =	vst v0;
	(pc) =	sbr.rel @p0 .LBB2_2-.Ltmp0, $4  }
0x16: {  	[tilespmem:s25+$0x6630] =	vst v0  }
0x17: {  	[tilespmem:s25+$0x6640] =	vst v0  }
0x18: {  	[tilespmem:s25+$0x6650] =	vst v0  }
0x19: {  	[tilespmem:s25+$0x6660] =	vst v0;
	s25 =	sshra.s32 s26, $0x2;
	s26 =	sadd.s32 $0x200, s26  }
0x1a: {  	[tilespmem:s25+$0x6670] =	vst v0  }
0x1b: {  	[tilespmem:s25+$0x6600] =	vst v0  }
0x1c: {  	[tilespmem:s25+$0x6610] =	vst v0  }
0x1d: {  	[tilespmem:s25+$0x6620] =	vst v0  }
0x1e: {  	[tilespmem:s25+$0x6630] =	vst v0  }
0x1f: {  	[tilespmem:s25+$0x6640] =	vst v0  }
0x20: {  	[tilespmem:s25+$0x6650] =	vst v0  }
0x21: {  	[tilespmem:s25+$0x6660] =	vst v0  }
0x22: {  	[spmem:s5] =	stream.linear.scatter [tilespmem:s17], [sflag:$0x3], $0x2800, $0x38;
	[tilespmem:$0x1F600] =	vst v63  }
0x23: {  	_ =	swait.ge [sflag:s18], $0x2800  }
0x24: {  	[sflag:s18] =	ssyncset.done $0x0  }
0x25: {  	[sflag:s18] =	ssyncadd.s32 $0xFFFFD800  }
0x26: {  	[spmem:s6] =	stream.linear.scatter [tilespmem:s17], [sflag:$0x3], $0x2800, $0x38;
	[tilespmem:$0x1F600] =	vst v63  }
0x27: {  	_ =	swait.ge [sflag:s18], $0x2800  }
0x28: {  	[sflag:s18] =	ssyncset.done $0x0  }
0x29: {  	[sflag:s18] =	ssyncadd.s32 $0xFFFFD800  }
0x2a: {  	[spmem:s7] =	stream.linear.scatter [tilespmem:s17], [sflag:$0x3], $0x2800, $0x38;
	[tilespmem:$0x1F600] =	vst v63  }
0x2b: {  	_ =	swait.ge [sflag:s18], $0x2800  }
0x2c: {  	[sflag:s18] =	ssyncset.done $0x0  }
0x2d: {  	[sflag:s18] =	ssyncadd.s32 $0xFFFFD800  }
0x2e: {  	[spmem:s8] =	stream.linear.scatter [tilespmem:s17], [sflag:$0x3], $0x2800, $0x38;
	[tilespmem:$0x1F600] =	vst v63  }
0x2f: {  	_ =	swait.ge [sflag:s18], $0x2800  }
0x30: {  	[sflag:s18] =	ssyncset.done $0x0  }
0x31: {  	[sflag:s18] =	ssyncadd.s32 $0xFFFFD800  }
0x32: {  	[spmem:s9] =	stream.linear.scatter [tilespmem:s17], [sflag:$0x3], $0x2800, $0x38;
	[tilespmem:$0x1F600] =	vst v63  }
0x33: {  	_ =	swait.ge [sflag:s18], $0x2800  }
0x34: {  	[sflag:s18] =	ssyncset.done $0x0  }
0x35: {  	[sflag:s18] =	ssyncadd.s32 $0xFFFFD800  }
0x36: {  	[spmem:s10] =	stream.linear.scatter [tilespmem:s17], [sflag:$0x3], $0x2800, $0x38;
	[tilespmem:$0x1F600] =	vst v63  }
0x37: {  	_ =	swait.ge [sflag:s18], $0x2800  }
0x38: {  	[sflag:s18] =	ssyncset.done $0x0  }
0x39: {  	[sflag:s18] =	ssyncadd.s32 $0xFFFFD800  }
0x3a: {  	[spmem:s11] =	stream.linear.scatter [tilespmem:s17], [sflag:$0x3], $0x2800, $0x38;
	[tilespmem:$0x1F600] =	vst v63  }
0x3b: {  	_ =	swait.ge [sflag:s18], $0x2800  }
0x3c: {  	[sflag:s18] =	ssyncset.done $0x0  }
0x3d: {  	[sflag:s18] =	ssyncadd.s32 $0xFFFFD800  }
0x3e: {  	[spmem:s12] =	stream.linear.scatter [tilespmem:s17], [sflag:$0x3], $0x2800, $0x38;
	[tilespmem:$0x1F600] =	vst v63  }
0x3f: {  	_ =	swait.ge [sflag:s18], $0x2800  }
0x40: {  	[sflag:s18] =	ssyncset.done $0x0  }
0x41: {  	s31 =	simm.s32 $0x0;
	[sflag:s18] =	ssyncadd.s32 $0xFFFFD800  }
0x42: {  	[tilespmem:s31], [sflag:$0x3] =	stream.linear.gather [hbm4b:s13+s31], $0x2710, $0x38;
	[tilespmem:$0x1F600] =	vst v63  }
0x43: {  	_ =	swait.ge [sflag:s18], $0x2710  }
0x44: {  	[sflag:s18] =	ssyncset.done $0x0  }
0x45: {  	[sflag:s18] =	ssyncadd.s32 $0xFFFFD8F0  }
0x46: {  	[tilespmem:s19], [sflag:$0x3] =	stream.linear.gather [hbm4b:s14+s31], $0x3E80, $0x38;
	[tilespmem:$0x1F600] =	vst v63  }
0x47: {  	_ =	swait.ge [sflag:s18], $0x3E80  }
0x48: {  	[sflag:s18] =	ssyncset.done $0x0  }
0x49: {  	[sflag:s18] =	ssyncadd.s32 $0xFFFFC180  }
0x4a: {  	[bflag:$0x0] =	sbarrier.arrive $0xFFFF  }
0x4b: {  	[tilespmem:s17], [sflag:$0x1] =	stream.indirect.gather [hbm4b:s4+s20], $0x80, s31, s20, $0xb8;
	[tilespmem:$0x1F600] =	vst v63  }
0x4c: {  	s26 =	simm.s32 $0x50  }
0x4d: {  	[tilespmem:s21], [sflag:$0x2] =	stream.indirect.gather [hbm4b:s4+s20], $0x80, s26, s20, $0xb8;
	[tilespmem:$0x1F600] =	vst v63  }
0x4e: {  	_ =	swait.ge [sflag:s22], $0x2800  }
0x4f: {  	[sflag:s22] =	ssyncset.done $0x0  }
0x50: {  	s29 =	simm.s32 $0x2780;
	[sflag:s22] =	ssyncadd.s32 $0xFFFFD800  }
0x51: {  	[spmem:s2] =	stream.indirect.scatter.add.f32 [tilespmem:s17], [sflag:$0x3], $0x80, s29, s20, $0xb8;
	[tilespmem:$0x1F600] =	vst v63  }
0x52: {  	_ =	swait.ge [sflag:s18], $0x2800  }
0x53: {  	[sflag:s18] =	ssyncset.done $0x0  }
0x54: {  	s30 =	simm.s32 $0xA0;
	[sflag:s18] =	ssyncadd.s32 $0xFFFFD800  }
0x55: {  	[tilespmem:s17], [sflag:$0x1] =	stream.indirect.gather [hbm4b:s4+s20], $0x80, s30, s20, $0xb8;
	[tilespmem:$0x1F600] =	vst v63  }
0x56: {  	_ =	swait.ge [sflag:s23], $0x2800  }
0x57: {  	[sflag:s23] =	ssyncset.done $0x0  }
0x58: {  	s31 =	simm.s32 $0x2800;
	[sflag:s23] =	ssyncadd.s32 $0xFFFFD800  }
0x59: {  	[spmem:s2] =	stream.indirect.scatter.add.f32 [tilespmem:s21], [sflag:$0x3], $0x80, s31, s20, $0xb8;
	[tilespmem:$0x1F600] =	vst v63  }
0x5a: {  	s28 =	simm.s32 $0x800;
	_ =	swait.ge [sflag:s18], $0x2800  }
0x5b: {  	s25 =	simm.s32 $0x140;
	s26 =	simm.s32 $0x400;
	[sflag:s18] =	ssyncset.done $0x0  }
.LBB2_4:
0x5c: {  	p0 =	sne.s32 s28, $0xF400;
	s29 =	sadd.s32 $0xFFFFFFB0, s25;
	[sflag:s18] =	ssyncadd.s32 $0xFFFFD800  }
0x5d: {  	[tilespmem:s21], [sflag:$0x2] =	stream.indirect.gather [hbm4b:s4+s20], $0x80, s29, s20, $0xb8;
	[tilespmem:$0x1F600] =	vst v63  }
0x5e: {  	s29 =	smov.u32 s28;
	s28 =	sadd.s32 $0x400, s28;
	_ =	swait.ge [sflag:s22], $0x2800  }
0x5f: {  	s30 =	sshra.s32 s26, $0x2;
	s26 =	smov.u32 s29;
	[sflag:s22] =	ssyncset.done $0x0  }
0x60: {  	s29 =	sadd.s32 $0x2780, s30;
	[sflag:s22] =	ssyncadd.s32 $0xFFFFD800  }
0x61: {  	[spmem:s2] =	stream.indirect.scatter.add.f32 [tilespmem:s17], [sflag:$0x3], $0x80, s29, s20, $0xb8;
	[tilespmem:$0x1F600] =	vst v63  }
0x62: {  	_ =	swait.ge [sflag:s18], $0x2800  }
0x63: {  	[sflag:s18] =	ssyncset.done $0x0  }
0x64: {  	[sflag:s18] =	ssyncadd.s32 $0xFFFFD800  }
0x65: {  	[tilespmem:s17], [sflag:$0x1] =	stream.indirect.gather [hbm4b:s4+s20], $0x80, s25, s20, $0xb8;
	[tilespmem:$0x1F600] =	vst v63  }
0x66: {  	_ =	swait.ge [sflag:s23], $0x2800  }
.Ltmp1:
0x67: {  	[sflag:s23] =	ssyncset.done $0x0;
	(pc) =	sbr.rel @p0 .LBB2_4-.Ltmp1, $4  }
0x68: {  	s29 =	sadd.s32 $0x2800, s30;
	[sflag:s23] =	ssyncadd.s32 $0xFFFFD800  }
0x69: {  	[spmem:s2] =	stream.indirect.scatter.add.f32 [tilespmem:s21], [sflag:$0x3], $0x80, s29, s20, $0xb8;
	[tilespmem:$0x1F600] =	vst v63  }
0x6a: {  	_ =	swait.ge [sflag:s18], $0x2800  }
0x6b: {  	s25 =	sadd.s32 $0xA0, s25;
	[sflag:s18] =	ssyncset.done $0x0  }
0x6c: {  	s28 =	sadd.s32 $0xFFFFFFB0, s25;
	[sflag:s18] =	ssyncadd.s32 $0xFFFFD800  }
0x6d: {  	[tilespmem:s21], [sflag:$0x2] =	stream.indirect.gather [hbm4b:s4+s20], $0x80, s28, s20, $0xb8;
	[tilespmem:$0x1F600] =	vst v63  }
0x6e: {  	_ =	swait.ge [sflag:s22], $0x2800  }
0x6f: {  	s26 =	sshra.s32 s26, $0x2;
	[sflag:s22] =	ssyncset.done $0x0  }
0x70: {  	s31 =	sadd.s32 $0x2780, s26;
	[sflag:s22] =	ssyncadd.s32 $0xFFFFD800  }
0x71: {  	[spmem:s2] =	stream.indirect.scatter.add.f32 [tilespmem:s17], [sflag:$0x3], $0x80, s31, s20, $0xb8;
	[tilespmem:$0x1F600] =	vst v63  }
0x72: {  	_ =	swait.ge [sflag:s18], $0x2800  }
0x73: {  	[sflag:s18] =	ssyncset.done $0x0  }
0x74: {  	[sflag:s18] =	ssyncadd.s32 $0xFFFFD800  }
0x75: {  	[tilespmem:s17], [sflag:$0x1] =	stream.indirect.gather [hbm4b:s4+s20], $0x80, s25, s20, $0xb8;
	[tilespmem:$0x1F600] =	vst v63  }
0x76: {  	_ =	swait.ge [sflag:s23], $0x2800  }
0x77: {  	[sflag:s23] =	ssyncset.done $0x0  }
0x78: {  	s29 =	sadd.s32 $0x2800, s26;
	[sflag:s23] =	ssyncadd.s32 $0xFFFFD800  }
0x79: {  	[spmem:s2] =	stream.indirect.scatter.add.f32 [tilespmem:s21], [sflag:$0x3], $0x80, s29, s20, $0xb8;
	[tilespmem:$0x1F600] =	vst v63  }
0x7a: {  	_ =	swait.ge [sflag:s18], $0x2800  }
0x7b: {  	[sflag:s18] =	ssyncset.done $0x0  }
0x7c: {  	[sflag:s18] =	ssyncadd.s32 $0xFFFFD800  }
0x7d: {  	_ =	swait.ge [sflag:s22], $0x2800  }
0x7e: {  	[sflag:s22] =	ssyncset.done $0x0  }
0x7f: {  	[sflag:s22] =	ssyncadd.s32 $0xFFFFD800  }
0x80: {  	[spmem:s2] =	stream.indirect.scatter.add.f32 [tilespmem:s17], [sflag:$0x3], $0x80, s24, s20, $0xb8;
	[tilespmem:$0x1F600] =	vst v63  }
0x81: {  	_ =	swait.ge [sflag:s18], $0x2800  }
0x82: {  	s30 =	sshll.u32 s0, $0x6;
	s3 =	sadd.s32 $0x1, s3;
	[sflag:s18] =	ssyncset.done $0x0  }
0x83: {  	p0 =	sne.s32 s3, s16;
	s31 =	sshrl.u32 s5, $0x3;
	[sflag:s18] =	ssyncadd.s32 $0xFFFFD800  }
.Ltmp2:
0x84: {  	s25 =	sor.u32 $0x1C03, s30;
	[bflag:$0x0] =	sbarrier.arrive $0xFFFF;
	(pc) =	sbr.rel @p0 .LBB2_1-.Ltmp2, $4  }
0x85: {  	[hbm:s15], [sflag:s25] =	dma.local [spmem:s31], $0x2800  }
0x86: {  	_ =	swait.ge [sflag:s18], $0x2800  }
0x87: {  	[sflag:s18] =	ssyncset.done $0x0  }
0x88: {  	[sflag:s18] =	ssyncadd.s32 $0xFFFFD800  }
0x89: {  	_ =	sfence.sel $0x180000  }
0x8a: {  	[bflag:$0x0] =	sbarrier.arrive $0xFFFF  }
0x8b: {  	p0 =	sne.s32 s0, $0x0;
	_ =	strace $0x9000004A  }
0x8c: {  	s0 =	sadd.s32 @!p0 $0x100000, s1;
	[bflag:$0x2] =	sbarrier.arrive $0xFFFF  }
0x8d: {  	[sflag:s0] =	ssyncadd.tile.s32 @!p0 $0x1;
	_ =	shalt  }
.Lfunc_end2:
_tile_overlayer_lowered:
.L_overlay_start_2:
0x8e: {  	(tag) =	ssettag $0x2  }
0x8f: {  	s0 =	rddreg [dreg:$0x0];
	s2 =	stileid.u32  }
0x90: {  	s1 =	rddreg [dreg:$0x1];
	p0 =	sne.s32 s2, $0x0  }
0x91: {  	s3 =	rddreg [dreg:$0x2];
	[bflag:$0x3] =	sbarrier.arrive $0xFFFF;
	s2 =	simm.s32 @!p0 $0x1C03  }
0x92: {  	[timem:s3], [sflag:s2] =	dma.local @!p0 [hbm:s0], s1  }
0x93: {  	s0 =	simm.s32 @!p0 $0x3  }
0x94: {  	_ =	swait.ge @!p0 [sflag:s0], s1  }
0x95: {  	s1 =	ssub.s32 @!p0 $0x0, s1;
	[sflag:s0] =	ssyncset.done @!p0 $0x0  }
0x96: {  	[sflag:s0] =	ssyncadd.s32 @!p0 s1  }
0x97: {  	[bflag:$0x3] =	sbarrier.arrive $0xFFFF  }
0x98: {  	_ =	shalt  }

// kernel: kernel.15.cloned.1.call-start
scs
__scs_entry_jumppad:
0x0: {  	(pc) =	sbr.rel $0x88, $3  }
0x1: {  	(tag) =	ssettag $0x0;
	lr =	simm.s32 $0x1  }
0x2: {  	[smem:$0x3F9B] =	sst lr;
	_ =	strace $0xD0000000  }
0x3: {  	_ = 	snop  }
0x4: {  	_ = 	snop  }
0x5: {  	_ = 	snop  }
0x6: {  	_ = 	snop  }
0x7: {  	_ = 	snop  }
__scs_overlays_trampoline_lowered:
0x8: {  	[smem:$0x3FAA] =	sst s0  }
0x9: {  	[smem:$0x3FAB] =	sst s1  }
0xa: {  	[smem:$0x3FAC] =	sst s2  }
0xb: {  	[smem:$0x3FAD] =	sst s3  }
0xc: {  	[smem:$0x3FAE] =	sst s4  }
0xd: {  	[smem:$0x3FAF] =	sst s5  }
0xe: {  	[smem:$0x3FB0] =	sst s6  }
0xf: {  	[smem:$0x3FB1] =	sst s7  }
0x10: {  	[smem:$0x3FB2] =	sst s8  }
0x11: {  	[smem:$0x3FB3] =	sst s9;
	s0 =	simm.s32 @!p0 $0x0  }
0x12: {  	s1 =	sld [smem:$0x3F99];
	s0 =	simm.s32 @p0 $0x1  }
0x13: {  	[smem:$0x3FB4] =	sst s0;
	s0 =	simm.s32 @!p1 $0x0  }
0x14: {  	s2 =	sld [smem:$0x3F98];
	s0 =	simm.s32 @p1 $0x1  }
0x15: {  	[smem:$0x3FB5] =	sst s0;
	s0 =	simm.s32 @!p2 $0x0  }
0x16: {  	s3 =	sld [smem:$0x3FDB];
	s0 =	simm.s32 @p2 $0x1  }
0x17: {  	s4 =	simm.s32 $0x1BF5;
	[smem:$0x3FB7] =	sst s0  }
0x18: {  	s0 =	sld [smem:$0x3F9A];
	_ =	swait.ge [sflag:s4], $0x0  }
0x19: {  	s7 =	sld [smem:$0x3F9B]  }
0x1a: {  	s8 =	sadd.s32 $0xFFFFE003, lr  }
0x1b: {  	s9 =	sadd.s32 $0xFFFFFEF7, lr;
	s5 =	simm.s32 $0xFFFFFFFF;
	p2 =	slt.u32 s8, $0xFFFFF086  }
0x1c: {  	p1 =	slt.u32 s9, $0xF7A;
	s5 =	simm.s32 @!p2 $0x0  }
0x1d: {  	s5 =	simm.s32 @p1 $0x1;
	p0 =	seq.s32 s7, s2  }
0x1e: {  	s7 =	smul.u32 @!p0 $0xF7A, s2;
	p2 =	seq.s32 @!p0 s5, $0x0  }
0x1f: {  	s9 =	smul.u32 $0xF7A, s1;
	s8 =	simm.s32 @!p0 $0x1BF5;
	p2 =	por !p2, p0  }
0x20: {  	[sflag:s8] =	ssyncset.s32 @!p0 $0xFFFFF086;
	s6 =	sadd.s32 @!p0 s3, s7;
	s7 =	simm.s32 @!p0 $0x108  }
0x21: {  	s3 =	sadd.s32 s3, s9;
	s6 =	sadd.s32 @!p0 $0x88, s6;
	s7 =	simm.s32 @p2 $0x1082  }
0x22: {  	[simem:s7], [sflag:s8] =	dma.local @!p0 [hbm:s6], $0xF7A  }
0x23: {  	s9 =	sor.u32 $0xD0000000, s2;
	s6 =	simm.s32 $0x108;
	_ =	swait.ge @!p0 [sflag:s8], $0x0  }
0x24: {  	s3 =	sadd.s32 $0x88, s3;
	s6 =	simm.s32 @!p1 $0x1082;
	[sflag:s4] =	ssyncset.s32 $0xFFFFF086  }
0x25: {  	[simem:s6], [sflag:s4] =	dma.local [hbm:s3], $0xF7A  }
0x26: {  	[smem:$0x3F9B] =	sst s1;
	(tag) =	ssettag s2;
	_ =	strace s9  }
0x27: {  	s1 =	sld [smem:$0x3FAB]  }
0x28: {  	s2 =	sld [smem:$0x3FAC]  }
0x29: {  	s4 =	sld [smem:$0x3FAE]  }
0x2a: {  	p0 =	seq.s32 s5, $0x0;
	s5 =	sld [smem:$0x3FAF]  }
0x2b: {  	s6 =	sld [smem:$0x3FB0]  }
0x2c: {  	s7 =	sld [smem:$0x3FB1]  }
0x2d: {  	s3 =	simm.s32 $0x108;
	s8 =	sld [smem:$0x3FB2]  }
0x2e: {  	s3 =	simm.s32 @!p0 $0x1082;
	s9 =	sld [smem:$0x3FB3]  }
0x2f: {  	lr =	sadd.s32 s0, s3;
	s0 =	sld [smem:$0x3FAA]  }
0x30: {  	s3 =	sld [smem:$0x3FAD]  }
0x31: {  	[smem:$0x3FB6] =	sst s10  }
0x32: {  	s10 =	sld [smem:$0x3FB4];
	_ =	sdelay $0x3  }
0x33: {  	p0 =	seq.s32 s10, $0x1;
	s10 =	sld [smem:$0x3FB6];
	_ =	sdelay $0x3  }
0x34: {  	[smem:$0x3FB6] =	sst s10  }
0x35: {  	s10 =	sld [smem:$0x3FB5];
	_ =	sdelay $0x3  }
0x36: {  	p1 =	seq.s32 s10, $0x1;
	s10 =	sld [smem:$0x3FB6];
	_ =	sdelay $0x3  }
0x37: {  	[smem:$0x3FB6] =	sst s10  }
0x38: {  	s10 =	sld [smem:$0x3FB7]  }
0x39: {  	_ = 	snop;
	(pc) =	sbr.ind lr, $3  }
0x3a: {  	_ = 	snop  }
0x3b: {  	_ = 	snop  }
0x3c: {  	p2 =	seq.s32 s10, $0x1;
	s10 =	sld [smem:$0x3FB6]  }
0x3d: {  	_ =	shalt  }
0x3e: {  	_ =	shalt  }
0x3f: {  	_ =	shalt  }
0x40: {  	_ =	shalt  }
0x41: {  	_ =	shalt  }
0x42: {  	_ =	shalt  }
0x43: {  	_ =	shalt  }
0x44: {  	_ =	shalt  }
0x45: {  	_ =	shalt  }
0x46: {  	_ =	shalt  }
0x47: {  	_ =	shalt  }
0x48: {  	_ =	shalt  }
0x49: {  	_ =	shalt  }
0x4a: {  	_ =	shalt  }
0x4b: {  	_ =	shalt  }
0x4c: {  	_ =	shalt  }
0x4d: {  	_ =	shalt  }
0x4e: {  	_ =	shalt  }
0x4f: {  	_ =	shalt  }
0x50: {  	_ =	shalt  }
0x51: {  	_ =	shalt  }
0x52: {  	_ =	shalt  }
0x53: {  	_ =	shalt  }
0x54: {  	_ =	shalt  }
0x55: {  	_ =	shalt  }
0x56: {  	_ =	shalt  }
0x57: {  	_ =	shalt  }
0x58: {  	_ =	shalt  }
0x59: {  	_ =	shalt  }
0x5a: {  	_ =	shalt  }
0x5b: {  	_ =	shalt  }
0x5c: {  	_ =	shalt  }
0x5d: {  	_ =	shalt  }
0x5e: {  	_ =	shalt  }
0x5f: {  	_ =	shalt  }
0x60: {  	_ =	shalt  }
0x61: {  	_ =	shalt  }
0x62: {  	_ =	shalt  }
0x63: {  	_ =	shalt  }
0x64: {  	_ =	shalt  }
0x65: {  	_ =	shalt  }
0x66: {  	_ =	shalt  }
0x67: {  	_ =	shalt  }
0x68: {  	_ =	shalt  }
0x69: {  	_ =	shalt  }
0x6a: {  	_ =	shalt  }
0x6b: {  	_ =	shalt  }
0x6c: {  	_ =	shalt  }
0x6d: {  	_ =	shalt  }
0x6e: {  	_ =	shalt  }
0x6f: {  	_ =	shalt  }
0x70: {  	_ =	shalt  }
0x71: {  	_ =	shalt  }
0x72: {  	_ =	shalt  }
0x73: {  	_ =	shalt  }
0x74: {  	_ =	shalt  }
0x75: {  	_ =	shalt  }
0x76: {  	_ =	shalt  }
0x77: {  	_ =	shalt  }
0x78: {  	_ =	shalt  }
0x79: {  	_ =	shalt  }
0x7a: {  	_ =	shalt  }
0x7b: {  	_ =	shalt  }
0x7c: {  	_ =	shalt  }
0x7d: {  	_ =	shalt  }
0x7e: {  	_ =	shalt  }
0x7f: {  	_ =	shalt  }
0x80: {  	_ =	shalt  }
0x81: {  	_ =	shalt  }
0x82: {  	_ =	shalt  }
0x83: {  	_ =	shalt  }
0x84: {  	_ =	shalt  }
0x85: {  	_ =	shalt  }
0x86: {  	_ =	shalt  }
0x87: {  	_ =	shalt  }
.Lfunc_end0:
.L_simem_size_0:
called_computation.2_lowered:
.L_overlay_start_0:
0x88: {  	s2 =	sld [smem:$0x3FD9]  }
0x89: {  	s3 =	sld [smem:$0x3FFE];
	_ =	sdelay $0x1  }
0x8a: {  	s1 =	srdreg.scid  }
0x8b: {  	s0 =	sand.u32 $0x1, s1  }
0x8c: {  	s17 =	sshll.u32 s0, $0xA;
	s2 =	sadd.s32 s3, s2  }
0x8d: {  	s2 =	sadd.s32 s2, s17  }
0x8e: {  	[smem:$0x3FC2] =	sst s2  }
0x8f: {  	_ = 	snop  }
0x90: {  	s2 =	sld [smem:$0x3FD0];
	(tm) =	ssettm $0x1  }
0x91: {  	s18 =	sld [smem:$0x3FFB];
	_ =	sdelay $0x3  }
0x92: {  	_ =	strace s18  }
0x93: {  	s3 =	sld [smem:$0x3FFC];
	_ =	sdelay $0x3  }
0x94: {  	_ =	strace s3  }
0x95: {  	s3 =	sld [smem:$0x3FFD];
	_ =	sdelay $0x3  }
0x96: {  	_ =	strace s3  }
0x97: {  	_ =	strace $0x8FFFFFFF  }
0x98: {  	s19 =	sld [smem:$0x3FDB];
	_ =	sdelay $0x1  }
0x99: {  	s4 =	simm.s32 $_scs_section_size  }
0x9a: {  	s5 =	simm.s32 $_size__tile_overlayer_lowered;
	s6 =	simm.s32 $_tile_overlayer_lowered  }
0x9b: {  	s22 =	simm.s32 $0x1BFF;
	s21 =	sshll.u32 s6, $0x1;
	s3 =	sadd.s32 s4, s19  }
0x9c: {  	s7 =	simm.s32 $0x0;
	s20 =	sshll.u32 s5, $0x1;
	s5 =	sadd.s32 s21, s3  }
0x9d: {  	[timem:s7], [sflag:s22] =	dma.local [hbm:s5], s20  }
0x9e: {  	_ =	swait.ge [sflag:s22], s20  }
0x9f: {  	s4 =	ssub.s32 $0x0, s20;
	[sflag:s22] =	ssyncset.done $0x0  }
0xa0: {  	[sflag:s22] =	ssyncadd.s32 s4;
	_ =	sdelay $0x1  }
0xa1: {  	s23 =	simm.s32 $0x1B8B  }
0xa2: {  	_ =	swait.ge [sflag:s23], $0x1  }
0xa3: {  	[sflag:s23] =	ssyncset.done $0x0  }
0xa4: {  	s25 =	simm.s32 $0x1B8E;
	s24 =	sld [smem:$0x3FFE];
	[sflag:s23] =	ssyncadd.s32 $0xFFFFFFFF  }
0xa5: {  	s26 =	simm.s32 $execute0_lowered;
	[smem:$0x3FD2] =	sst s25  }
0xa6: {  	s5 =	sshll.u32 s26, $0x1;
	_ =	strace $0x8000004C;
	[dreg:$0x1] =	wrdreg $0xFFFFFFFF  }
0xa7: {  	s28 =	simm.s32 $_size_execute0_lowered;
	s3 =	sadd.s32 s3, s5;
	[dreg:$0x0] =	wrdreg $0x0  }
0xa8: {  	s5 =	sshll.u32 s28, $0x1;
	[dreg:$0x2] =	wrdreg s3  }
0xa9: {  	[dreg:$0x3] =	wrdreg s5  }
0xaa: {  	[dreg:$0x4] =	wrdreg $0xC0  }
0xab: {  	_ =	task [dreg:s7], $0x5FFFF  }
0xac: {  	[dreg:$0x1] =	wrdreg $0xFFFFFFFF  }
0xad: {  	[dreg:$0x0] =	wrdreg $0x60  }
0xae: {  	[dreg:$0x2] =	wrdreg s24  }
0xaf: {  	[dreg:$0x3] =	wrdreg s2  }
0xb0: {  	[dreg:$0x4] =	wrdreg $0xB6000  }
0xb1: {  	[dreg:$0x5] =	wrdreg $0x9  }
0xb2: {  	_ =	task.clear_ibuf [dreg:s7], $0x6FFFF;
	_ =	strace $0x9000004C  }
0xb3: {  	s29 =	simm.s32 $0x9;
	_ =	strace $0x8000004E  }
0xb4: {  	_ =	swait.ge [sflag:s29], $0x1  }
0xb5: {  	[sflag:s29] =	ssyncadd.s32 $0xFFFFFFFF  }
0xb6: {  	_ =	strace $0x9000004E  }
0xb7: {  	_ =	sfence  }
0xb8: {  	s30 =	sld [smem:$0x0];
	_ =	sdelay $0x2  }
0xb9: {  	s31 =	sshll.u32 s1, $0xD;
	s1 =	sshrl.u32 s1, $0x2  }
0xba: {  	s3 =	sand.u32 $0x4000, s31;
	s1 =	sadd.s32 s1, s30  }
0xbb: {  	s0 =	sor.u32 s3, s0;
	s1 =	sshll.u32 s1, $0x11  }
0xbc: {  	s0 =	sor.u32 s1, s0  }
0xbd: {  	s0 =	sadd.s32 $0x8F2B, s0  }
0xbe: {  	[sflag:s0] =	ssyncadd.remote.s32 $0x1  }
0xbf: {  	_ =	sfence.sel $0xFFFF  }
0xc0: {  	[dreg:$0x0] =	wrdreg $0xFFFFFFFF;
	(pc) =	sbr.abs _section_cstart, $3  }
0xc1: {  	[dreg:$0x1] =	wrdreg $0xFFFFFFFF  }
0xc2: {  	_ =	task.clear_ibuf [dreg:s7], $0x2FFFF;
	_ =	strace $0x9FFFFFFF  }
0xc3: {  	(tm) =	ssettm $0x7FFFFFFF  }
tec
execute0_lowered:
.L_overlay_start_1:
0x0: {  	(tag) =	ssettag $0x1  }
0x1: {  	s1 =	srdreg.scid;
	s5 =	rddreg [dreg:$0x0]  }
0x2: {  	s0 =	stileid.u32;
	s14 =	rddreg [dreg:$0x1]  }
0x3: {  	s2 =	rddreg [dreg:$0x2];
	s3 =	simm.s32 $0x0;
	s18 =	simm.s32 $0x3  }
0x4: {  	s19 =	simm.s32 $0x2780;
	s20 =	simm.s32 $0x50;
	s21 =	simm.s32 $0x8E00  }
0x5: {  	s22 =	simm.s32 $0x1;
	s23 =	simm.s32 $0x2;
	s24 =	simm.s32 $0x6580  }
0x6: {  	s6 =	sand.u32 $0x1, s1;
	s1 =	rddreg [dreg:$0x3];
	s8 =	smul.u32 $0x14000, s0  }
0x7: {  	s29 =	sshll.u32 s0, $0x1;
	[smem:$0x7FF] =	sst s3;
	s9 =	smul.u32 $0x50000, s0  }
0x8: {  	s10 =	sor.u32 s6, s29;
	s7 =	smul.u32 $0x140000, s6;
	_ =	strace $0x8000004D  }
0x9: {  	s6 =	ssub.s32 $0x2, s6;
	s4 =	smul.u32 $0x4E2, s10;
	s30 =	sshrl.u32 s9, $0x2  }
0xa: {  	s31 =	sshrl.u32 s6, $0x1;
	s17 =	smul.u32 $0x7D0, s10;
	s7 =	sadd.s32 s8, s7  }
0xb: {  	s16 =	ssub.s32 s6, s31;
	s13 =	sadd.s32 s4, s5;
	s4 =	sadd.s32 $0xBE00, s5  }
0xc: {  	s7 =	sshrl.u32 s7, $0x3;
	s14 =	sadd.s32 s14, s17;
	s16 =	smax.u32 s16, $0x1  }
0xd: {  	s17 =	simm.s32 $0x6600;
	s15 =	sadd.s32 s7, s5;
	s5 =	sadd.s32 s30, s2  }
0xe: {  	s13 =	sadd.s32 $0x2000, s13;
	s6 =	sadd.s32 $0x2800, s5;
	s7 =	sadd.s32 $0x5000, s5  }
0xf: {  	s8 =	sadd.s32 $0x7800, s5;
	s9 =	sadd.s32 $0xA000, s5;
	s10 =	sadd.s32 $0xC800, s5  }
0x10: {  	v0 =	vimm.f32 $0.0e+00;
	s11 =	sadd.s32 $0xF000, s5;
	s12 =	sadd.s32 $0x11800, s5;
	s15 =	sadd.s32 $0x33000, s15  }
.LBB2_1:
0x11: {  	s25 =	simm.s32 $0x0;
	s26 =	simm.s32 $0x200  }
.LBB2_2:
0x12: {  	p0 =	sne.s32 s26, $0x9E00;
	[tilespmem:s25+$0x6670] =	vst v0  }
0x13: {  	[tilespmem:s25+$0x6600] =	vst v0  }
0x14: {  	[tilespmem:s25+$0x6610] =	vst v0  }
.Ltmp0:
0x15: {  	[tilespmem:s25+$0x6620] =	vst v0;
	(pc) =	sbr.rel @p0 .LBB2_2-.Ltmp0, $4  }
0x16: {  	[tilespmem:s25+$0x6630] =	vst v0  }
0x17: {  	[tilespmem:s25+$0x6640] =	vst v0  }
0x18: {  	[tilespmem:s25+$0x6650] =	vst v0  }
0x19: {  	[tilespmem:s25+$0x6660] =	vst v0;
	s25 =	sshra.s32 s26, $0x2;
	s26 =	sadd.s32 $0x200, s26  }
0x1a: {  	[tilespmem:s25+$0x6670] =	vst v0  }
0x1b: {  	[tilespmem:s25+$0x6600] =	vst v0  }
0x1c: {  	[tilespmem:s25+$0x6610] =	vst v0  }
0x1d: {  	[tilespmem:s25+$0x6620] =	vst v0  }
0x1e: {  	[tilespmem:s25+$0x6630] =	vst v0  }
0x1f: {  	[tilespmem:s25+$0x6640] =	vst v0  }
0x20: {  	[tilespmem:s25+$0x6650] =	vst v0  }
0x21: {  	[tilespmem:s25+$0x6660] =	vst v0  }
0x22: {  	[spmem:s5] =	stream.linear.scatter [tilespmem:s17], [sflag:$0x3], $0x2800, $0x38;
	[tilespmem:$0x1F600] =	vst v63  }
0x23: {  	_ =	swait.ge [sflag:s18], $0x2800  }
0x24: {  	[sflag:s18] =	ssyncset.done $0x0  }
0x25: {  	[sflag:s18] =	ssyncadd.s32 $0xFFFFD800  }
0x26: {  	[spmem:s6] =	stream.linear.scatter [tilespmem:s17], [sflag:$0x3], $0x2800, $0x38;
	[tilespmem:$0x1F600] =	vst v63  }
0x27: {  	_ =	swait.ge [sflag:s18], $0x2800  }
0x28: {  	[sflag:s18] =	ssyncset.done $0x0  }
0x29: {  	[sflag:s18] =	ssyncadd.s32 $0xFFFFD800  }
0x2a: {  	[spmem:s7] =	stream.linear.scatter [tilespmem:s17], [sflag:$0x3], $0x2800, $0x38;
	[tilespmem:$0x1F600] =	vst v63  }
0x2b: {  	_ =	swait.ge [sflag:s18], $0x2800  }
0x2c: {  	[sflag:s18] =	ssyncset.done $0x0  }
0x2d: {  	[sflag:s18] =	ssyncadd.s32 $0xFFFFD800  }
0x2e: {  	[spmem:s8] =	stream.linear.scatter [tilespmem:s17], [sflag:$0x3], $0x2800, $0x38;
	[tilespmem:$0x1F600] =	vst v63  }
0x2f: {  	_ =	swait.ge [sflag:s18], $0x2800  }
0x30: {  	[sflag:s18] =	ssyncset.done $0x0  }
0x31: {  	[sflag:s18] =	ssyncadd.s32 $0xFFFFD800  }
0x32: {  	[spmem:s9] =	stream.linear.scatter [tilespmem:s17], [sflag:$0x3], $0x2800, $0x38;
	[tilespmem:$0x1F600] =	vst v63  }
0x33: {  	_ =	swait.ge [sflag:s18], $0x2800  }
0x34: {  	[sflag:s18] =	ssyncset.done $0x0  }
0x35: {  	[sflag:s18] =	ssyncadd.s32 $0xFFFFD800  }
0x36: {  	[spmem:s10] =	stream.linear.scatter [tilespmem:s17], [sflag:$0x3], $0x2800, $0x38;
	[tilespmem:$0x1F600] =	vst v63  }
0x37: {  	_ =	swait.ge [sflag:s18], $0x2800  }
0x38: {  	[sflag:s18] =	ssyncset.done $0x0  }
0x39: {  	[sflag:s18] =	ssyncadd.s32 $0xFFFFD800  }
0x3a: {  	[spmem:s11] =	stream.linear.scatter [tilespmem:s17], [sflag:$0x3], $0x2800, $0x38;
	[tilespmem:$0x1F600] =	vst v63  }
0x3b: {  	_ =	swait.ge [sflag:s18], $0x2800  }
0x3c: {  	[sflag:s18] =	ssyncset.done $0x0  }
0x3d: {  	[sflag:s18] =	ssyncadd.s32 $0xFFFFD800  }
0x3e: {  	[spmem:s12] =	stream.linear.scatter [tilespmem:s17], [sflag:$0x3], $0x2800, $0x38;
	[tilespmem:$0x1F600] =	vst v63  }
0x3f: {  	_ =	swait.ge [sflag:s18], $0x2800  }
0x40: {  	[sflag:s18] =	ssyncset.done $0x0  }
0x41: {  	s31 =	simm.s32 $0x0;
	[sflag:s18] =	ssyncadd.s32 $0xFFFFD800  }
0x42: {  	[tilespmem:s31], [sflag:$0x3] =	stream.linear.gather [hbm4b:s13+s31], $0x2710, $0x38;
	[tilespmem:$0x1F600] =	vst v63  }
0x43: {  	_ =	swait.ge [sflag:s18], $0x2710  }
0x44: {  	[sflag:s18] =	ssyncset.done $0x0  }
0x45: {  	[sflag:s18] =	ssyncadd.s32 $0xFFFFD8F0  }
0x46: {  	[tilespmem:s19], [sflag:$0x3] =	stream.linear.gather [hbm4b:s14+s31], $0x3E80, $0x38;
	[tilespmem:$0x1F600] =	vst v63  }
0x47: {  	_ =	swait.ge [sflag:s18], $0x3E80  }
0x48: {  	[sflag:s18] =	ssyncset.done $0x0  }
0x49: {  	[sflag:s18] =	ssyncadd.s32 $0xFFFFC180  }
0x4a: {  	[bflag:$0x0] =	sbarrier.arrive $0xFFFF  }
0x4b: {  	[tilespmem:s17], [sflag:$0x1] =	stream.indirect.gather [hbm4b:s4+s20], $0x80, s31, s20, $0xb8;
	[tilespmem:$0x1F600] =	vst v63  }
0x4c: {  	s26 =	simm.s32 $0x50  }
0x4d: {  	[tilespmem:s21], [sflag:$0x2] =	stream.indirect.gather [hbm4b:s4+s20], $0x80, s26, s20, $0xb8;
	[tilespmem:$0x1F600] =	vst v63  }
0x4e: {  	_ =	swait.ge [sflag:s22], $0x2800  }
0x4f: {  	[sflag:s22] =	ssyncset.done $0x0  }
0x50: {  	s29 =	simm.s32 $0x2780;
	[sflag:s22] =	ssyncadd.s32 $0xFFFFD800  }
0x51: {  	[spmem:s2] =	stream.indirect.scatter.add.f32 [tilespmem:s17], [sflag:$0x3], $0x80, s29, s20, $0xb8;
	[tilespmem:$0x1F600] =	vst v63  }
0x52: {  	_ =	swait.ge [sflag:s18], $0x2800  }
0x53: {  	[sflag:s18] =	ssyncset.done $0x0  }
0x54: {  	s30 =	simm.s32 $0xA0;
	[sflag:s18] =	ssyncadd.s32 $0xFFFFD800  }
0x55: {  	[tilespmem:s17], [sflag:$0x1] =	stream.indirect.gather [hbm4b:s4+s20], $0x80, s30, s20, $0xb8;
	[tilespmem:$0x1F600] =	vst v63  }
0x56: {  	_ =	swait.ge [sflag:s23], $0x2800  }
0x57: {  	[sflag:s23] =	ssyncset.done $0x0  }
0x58: {  	s31 =	simm.s32 $0x2800;
	[sflag:s23] =	ssyncadd.s32 $0xFFFFD800  }
0x59: {  	[spmem:s2] =	stream.indirect.scatter.add.f32 [tilespmem:s21], [sflag:$0x3], $0x80, s31, s20, $0xb8;
	[tilespmem:$0x1F600] =	vst v63  }
0x5a: {  	s28 =	simm.s32 $0x800;
	_ =	swait.ge [sflag:s18], $0x2800  }
0x5b: {  	s25 =	simm.s32 $0x140;
	s26 =	simm.s32 $0x400;
	[sflag:s18] =	ssyncset.done $0x0  }
.LBB2_4:
0x5c: {  	p0 =	sne.s32 s28, $0xF400;
	s29 =	sadd.s32 $0xFFFFFFB0, s25;
	[sflag:s18] =	ssyncadd.s32 $0xFFFFD800  }
0x5d: {  	[tilespmem:s21], [sflag:$0x2] =	stream.indirect.gather [hbm4b:s4+s20], $0x80, s29, s20, $0xb8;
	[tilespmem:$0x1F600] =	vst v63  }
0x5e: {  	s29 =	smov.u32 s28;
	s28 =	sadd.s32 $0x400, s28;
	_ =	swait.ge [sflag:s22], $0x2800  }
0x5f: {  	s30 =	sshra.s32 s26, $0x2;
	s26 =	smov.u32 s29;
	[sflag:s22] =	ssyncset.done $0x0  }
0x60: {  	s29 =	sadd.s32 $0x2780, s30;
	[sflag:s22] =	ssyncadd.s32 $0xFFFFD800  }
0x61: {  	[spmem:s2] =	stream.indirect.scatter.add.f32 [tilespmem:s17], [sflag:$0x3], $0x80, s29, s20, $0xb8;
	[tilespmem:$0x1F600] =	vst v63  }
0x62: {  	_ =	swait.ge [sflag:s18], $0x2800  }
0x63: {  	[sflag:s18] =	ssyncset.done $0x0  }
0x64: {  	[sflag:s18] =	ssyncadd.s32 $0xFFFFD800  }
0x65: {  	[tilespmem:s17], [sflag:$0x1] =	stream.indirect.gather [hbm4b:s4+s20], $0x80, s25, s20, $0xb8;
	[tilespmem:$0x1F600] =	vst v63  }
0x66: {  	_ =	swait.ge [sflag:s23], $0x2800  }
.Ltmp1:
0x67: {  	[sflag:s23] =	ssyncset.done $0x0;
	(pc) =	sbr.rel @p0 .LBB2_4-.Ltmp1, $4  }
0x68: {  	s29 =	sadd.s32 $0x2800, s30;
	[sflag:s23] =	ssyncadd.s32 $0xFFFFD800  }
0x69: {  	[spmem:s2] =	stream.indirect.scatter.add.f32 [tilespmem:s21], [sflag:$0x3], $0x80, s29, s20, $0xb8;
	[tilespmem:$0x1F600] =	vst v63  }
0x6a: {  	_ =	swait.ge [sflag:s18], $0x2800  }
0x6b: {  	s25 =	sadd.s32 $0xA0, s25;
	[sflag:s18] =	ssyncset.done $0x0  }
0x6c: {  	s28 =	sadd.s32 $0xFFFFFFB0, s25;
	[sflag:s18] =	ssyncadd.s32 $0xFFFFD800  }
0x6d: {  	[tilespmem:s21], [sflag:$0x2] =	stream.indirect.gather [hbm4b:s4+s20], $0x80, s28, s20, $0xb8;
	[tilespmem:$0x1F600] =	vst v63  }
0x6e: {  	_ =	swait.ge [sflag:s22], $0x2800  }
0x6f: {  	s26 =	sshra.s32 s26, $0x2;
	[sflag:s22] =	ssyncset.done $0x0  }
0x70: {  	s31 =	sadd.s32 $0x2780, s26;
	[sflag:s22] =	ssyncadd.s32 $0xFFFFD800  }
0x71: {  	[spmem:s2] =	stream.indirect.scatter.add.f32 [tilespmem:s17], [sflag:$0x3], $0x80, s31, s20, $0xb8;
	[tilespmem:$0x1F600] =	vst v63  }
0x72: {  	_ =	swait.ge [sflag:s18], $0x2800  }
0x73: {  	[sflag:s18] =	ssyncset.done $0x0  }
0x74: {  	[sflag:s18] =	ssyncadd.s32 $0xFFFFD800  }
0x75: {  	[tilespmem:s17], [sflag:$0x1] =	stream.indirect.gather [hbm4b:s4+s20], $0x80, s25, s20, $0xb8;
	[tilespmem:$0x1F600] =	vst v63  }
0x76: {  	_ =	swait.ge [sflag:s23], $0x2800  }
0x77: {  	[sflag:s23] =	ssyncset.done $0x0  }
0x78: {  	s29 =	sadd.s32 $0x2800, s26;
	[sflag:s23] =	ssyncadd.s32 $0xFFFFD800  }
0x79: {  	[spmem:s2] =	stream.indirect.scatter.add.f32 [tilespmem:s21], [sflag:$0x3], $0x80, s29, s20, $0xb8;
	[tilespmem:$0x1F600] =	vst v63  }
0x7a: {  	_ =	swait.ge [sflag:s18], $0x2800  }
0x7b: {  	[sflag:s18] =	ssyncset.done $0x0  }
0x7c: {  	[sflag:s18] =	ssyncadd.s32 $0xFFFFD800  }
0x7d: {  	_ =	swait.ge [sflag:s22], $0x2800  }
0x7e: {  	[sflag:s22] =	ssyncset.done $0x0  }
0x7f: {  	[sflag:s22] =	ssyncadd.s32 $0xFFFFD800  }
0x80: {  	[spmem:s2] =	stream.indirect.scatter.add.f32 [tilespmem:s17], [sflag:$0x3], $0x80, s24, s20, $0xb8;
	[tilespmem:$0x1F600] =	vst v63  }
0x81: {  	_ =	swait.ge [sflag:s18], $0x2800  }
0x82: {  	s30 =	sshll.u32 s0, $0x6;
	s3 =	sadd.s32 $0x1, s3;
	[sflag:s18] =	ssyncset.done $0x0  }
0x83: {  	p0 =	sne.s32 s3, s16;
	s31 =	sshrl.u32 s5, $0x3;
	[sflag:s18] =	ssyncadd.s32 $0xFFFFD800  }
.Ltmp2:
0x84: {  	s25 =	sor.u32 $0x1C03, s30;
	[bflag:$0x0] =	sbarrier.arrive $0xFFFF;
	(pc) =	sbr.rel @p0 .LBB2_1-.Ltmp2, $4  }
0x85: {  	[hbm:s15], [sflag:s25] =	dma.local [spmem:s31], $0x2800  }
0x86: {  	_ =	swait.ge [sflag:s18], $0x2800  }
0x87: {  	[sflag:s18] =	ssyncset.done $0x0  }
0x88: {  	[sflag:s18] =	ssyncadd.s32 $0xFFFFD800  }
0x89: {  	_ =	sfence.sel $0x180000  }
0x8a: {  	[bflag:$0x0] =	sbarrier.arrive $0xFFFF  }
0x8b: {  	p0 =	sne.s32 s0, $0x0;
	_ =	strace $0x9000004D  }
0x8c: {  	s0 =	sadd.s32 @!p0 $0x100000, s1;
	[bflag:$0x2] =	sbarrier.arrive $0xFFFF  }
0x8d: {  	[sflag:s0] =	ssyncadd.tile.s32 @!p0 $0x1;
	_ =	shalt  }
.Lfunc_end2:
_tile_overlayer_lowered:
.L_overlay_start_2:
0x8e: {  	(tag) =	ssettag $0x2  }
0x8f: {  	s0 =	rddreg [dreg:$0x0];
	s2 =	stileid.u32  }
0x90: {  	s1 =	rddreg [dreg:$0x1];
	p0 =	sne.s32 s2, $0x0  }
0x91: {  	s3 =	rddreg [dreg:$0x2];
	[bflag:$0x3] =	sbarrier.arrive $0xFFFF;
	s2 =	simm.s32 @!p0 $0x1C03  }
0x92: {  	[timem:s3], [sflag:s2] =	dma.local @!p0 [hbm:s0], s1  }
0x93: {  	s0 =	simm.s32 @!p0 $0x3  }
0x94: {  	_ =	swait.ge @!p0 [sflag:s0], s1  }
0x95: {  	s1 =	ssub.s32 @!p0 $0x0, s1;
	[sflag:s0] =	ssyncset.done @!p0 $0x0  }
0x96: {  	[sflag:s0] =	ssyncadd.s32 @!p0 s1  }
0x97: {  	[bflag:$0x3] =	sbarrier.arrive $0xFFFF  }
0x98: {  	_ =	shalt  }

// kernel: kernel.9.cloned.1.call-start
scs
__scs_entry_jumppad:
0x0: {  	(pc) =	sbr.rel $0x88, $3  }
0x1: {  	(tag) =	ssettag $0x0;
	lr =	simm.s32 $0x1  }
0x2: {  	[smem:$0x3F9B] =	sst lr;
	_ =	strace $0xD0000000  }
0x3: {  	_ = 	snop  }
0x4: {  	_ = 	snop  }
0x5: {  	_ = 	snop  }
0x6: {  	_ = 	snop  }
0x7: {  	_ = 	snop  }
__scs_overlays_trampoline_lowered:
0x8: {  	[smem:$0x3FAA] =	sst s0  }
0x9: {  	[smem:$0x3FAB] =	sst s1  }
0xa: {  	[smem:$0x3FAC] =	sst s2  }
0xb: {  	[smem:$0x3FAD] =	sst s3  }
0xc: {  	[smem:$0x3FAE] =	sst s4  }
0xd: {  	[smem:$0x3FAF] =	sst s5  }
0xe: {  	[smem:$0x3FB0] =	sst s6  }
0xf: {  	[smem:$0x3FB1] =	sst s7  }
0x10: {  	[smem:$0x3FB2] =	sst s8  }
0x11: {  	[smem:$0x3FB3] =	sst s9;
	s0 =	simm.s32 @!p0 $0x0  }
0x12: {  	s1 =	sld [smem:$0x3F99];
	s0 =	simm.s32 @p0 $0x1  }
0x13: {  	[smem:$0x3FB4] =	sst s0;
	s0 =	simm.s32 @!p1 $0x0  }
0x14: {  	s2 =	sld [smem:$0x3F98];
	s0 =	simm.s32 @p1 $0x1  }
0x15: {  	[smem:$0x3FB5] =	sst s0;
	s0 =	simm.s32 @!p2 $0x0  }
0x16: {  	s3 =	sld [smem:$0x3FDB];
	s0 =	simm.s32 @p2 $0x1  }
0x17: {  	s4 =	simm.s32 $0x1BF5;
	[smem:$0x3FB7] =	sst s0  }
0x18: {  	s0 =	sld [smem:$0x3F9A];
	_ =	swait.ge [sflag:s4], $0x0  }
0x19: {  	s7 =	sld [smem:$0x3F9B]  }
0x1a: {  	s8 =	sadd.s32 $0xFFFFE003, lr  }
0x1b: {  	s9 =	sadd.s32 $0xFFFFFEF7, lr;
	s5 =	simm.s32 $0xFFFFFFFF;
	p2 =	slt.u32 s8, $0xFFFFF086  }
0x1c: {  	p1 =	slt.u32 s9, $0xF7A;
	s5 =	simm.s32 @!p2 $0x0  }
0x1d: {  	s5 =	simm.s32 @p1 $0x1;
	p0 =	seq.s32 s7, s2  }
0x1e: {  	s7 =	smul.u32 @!p0 $0xF7A, s2;
	p2 =	seq.s32 @!p0 s5, $0x0  }
0x1f: {  	s9 =	smul.u32 $0xF7A, s1;
	s8 =	simm.s32 @!p0 $0x1BF5;
	p2 =	por !p2, p0  }
0x20: {  	[sflag:s8] =	ssyncset.s32 @!p0 $0xFFFFF086;
	s6 =	sadd.s32 @!p0 s3, s7;
	s7 =	simm.s32 @!p0 $0x108  }
0x21: {  	s3 =	sadd.s32 s3, s9;
	s6 =	sadd.s32 @!p0 $0x88, s6;
	s7 =	simm.s32 @p2 $0x1082  }
0x22: {  	[simem:s7], [sflag:s8] =	dma.local @!p0 [hbm:s6], $0xF7A  }
0x23: {  	s9 =	sor.u32 $0xD0000000, s2;
	s6 =	simm.s32 $0x108;
	_ =	swait.ge @!p0 [sflag:s8], $0x0  }
0x24: {  	s3 =	sadd.s32 $0x88, s3;
	s6 =	simm.s32 @!p1 $0x1082;
	[sflag:s4] =	ssyncset.s32 $0xFFFFF086  }
0x25: {  	[simem:s6], [sflag:s4] =	dma.local [hbm:s3], $0xF7A  }
0x26: {  	[smem:$0x3F9B] =	sst s1;
	(tag) =	ssettag s2;
	_ =	strace s9  }
0x27: {  	s1 =	sld [smem:$0x3FAB]  }
0x28: {  	s2 =	sld [smem:$0x3FAC]  }
0x29: {  	s4 =	sld [smem:$0x3FAE]  }
0x2a: {  	p0 =	seq.s32 s5, $0x0;
	s5 =	sld [smem:$0x3FAF]  }
0x2b: {  	s6 =	sld [smem:$0x3FB0]  }
0x2c: {  	s7 =	sld [smem:$0x3FB1]  }
0x2d: {  	s3 =	simm.s32 $0x108;
	s8 =	sld [smem:$0x3FB2]  }
0x2e: {  	s3 =	simm.s32 @!p0 $0x1082;
	s9 =	sld [smem:$0x3FB3]  }
0x2f: {  	lr =	sadd.s32 s0, s3;
	s0 =	sld [smem:$0x3FAA]  }
0x30: {  	s3 =	sld [smem:$0x3FAD]  }
0x31: {  	[smem:$0x3FB6] =	sst s10  }
0x32: {  	s10 =	sld [smem:$0x3FB4];
	_ =	sdelay $0x3  }
0x33: {  	p0 =	seq.s32 s10, $0x1;
	s10 =	sld [smem:$0x3FB6];
	_ =	sdelay $0x3  }
0x34: {  	[smem:$0x3FB6] =	sst s10  }
0x35: {  	s10 =	sld [smem:$0x3FB5];
	_ =	sdelay $0x3  }
0x36: {  	p1 =	seq.s32 s10, $0x1;
	s10 =	sld [smem:$0x3FB6];
	_ =	sdelay $0x3  }
0x37: {  	[smem:$0x3FB6] =	sst s10  }
0x38: {  	s10 =	sld [smem:$0x3FB7]  }
0x39: {  	_ = 	snop;
	(pc) =	sbr.ind lr, $3  }
0x3a: {  	_ = 	snop  }
0x3b: {  	_ = 	snop  }
0x3c: {  	p2 =	seq.s32 s10, $0x1;
	s10 =	sld [smem:$0x3FB6]  }
0x3d: {  	_ =	shalt  }
0x3e: {  	_ =	shalt  }
0x3f: {  	_ =	shalt  }
0x40: {  	_ =	shalt  }
0x41: {  	_ =	shalt  }
0x42: {  	_ =	shalt  }
0x43: {  	_ =	shalt  }
0x44: {  	_ =	shalt  }
0x45: {  	_ =	shalt  }
0x46: {  	_ =	shalt  }
0x47: {  	_ =	shalt  }
0x48: {  	_ =	shalt  }
0x49: {  	_ =	shalt  }
0x4a: {  	_ =	shalt  }
0x4b: {  	_ =	shalt  }
0x4c: {  	_ =	shalt  }
0x4d: {  	_ =	shalt  }
0x4e: {  	_ =	shalt  }
0x4f: {  	_ =	shalt  }
0x50: {  	_ =	shalt  }
0x51: {  	_ =	shalt  }
0x52: {  	_ =	shalt  }
0x53: {  	_ =	shalt  }
0x54: {  	_ =	shalt  }
0x55: {  	_ =	shalt  }
0x56: {  	_ =	shalt  }
0x57: {  	_ =	shalt  }
0x58: {  	_ =	shalt  }
0x59: {  	_ =	shalt  }
0x5a: {  	_ =	shalt  }
0x5b: {  	_ =	shalt  }
0x5c: {  	_ =	shalt  }
0x5d: {  	_ =	shalt  }
0x5e: {  	_ =	shalt  }
0x5f: {  	_ =	shalt  }
0x60: {  	_ =	shalt  }
0x61: {  	_ =	shalt  }
0x62: {  	_ =	shalt  }
0x63: {  	_ =	shalt  }
0x64: {  	_ =	shalt  }
0x65: {  	_ =	shalt  }
0x66: {  	_ =	shalt  }
0x67: {  	_ =	shalt  }
0x68: {  	_ =	shalt  }
0x69: {  	_ =	shalt  }
0x6a: {  	_ =	shalt  }
0x6b: {  	_ =	shalt  }
0x6c: {  	_ =	shalt  }
0x6d: {  	_ =	shalt  }
0x6e: {  	_ =	shalt  }
0x6f: {  	_ =	shalt  }
0x70: {  	_ =	shalt  }
0x71: {  	_ =	shalt  }
0x72: {  	_ =	shalt  }
0x73: {  	_ =	shalt  }
0x74: {  	_ =	shalt  }
0x75: {  	_ =	shalt  }
0x76: {  	_ =	shalt  }
0x77: {  	_ =	shalt  }
0x78: {  	_ =	shalt  }
0x79: {  	_ =	shalt  }
0x7a: {  	_ =	shalt  }
0x7b: {  	_ =	shalt  }
0x7c: {  	_ =	shalt  }
0x7d: {  	_ =	shalt  }
0x7e: {  	_ =	shalt  }
0x7f: {  	_ =	shalt  }
0x80: {  	_ =	shalt  }
0x81: {  	_ =	shalt  }
0x82: {  	_ =	shalt  }
0x83: {  	_ =	shalt  }
0x84: {  	_ =	shalt  }
0x85: {  	_ =	shalt  }
0x86: {  	_ =	shalt  }
0x87: {  	_ =	shalt  }
.Lfunc_end0:
.L_simem_size_0:
called_computation_lowered:
.L_overlay_start_0:
0x88: {  	s2 =	sld [smem:$0x3FD9]  }
0x89: {  	s3 =	sld [smem:$0x3FFE];
	_ =	sdelay $0x1  }
0x8a: {  	s1 =	srdreg.scid  }
0x8b: {  	s0 =	sand.u32 $0x1, s1  }
0x8c: {  	s17 =	sshll.u32 s0, $0xA;
	s2 =	sadd.s32 s3, s2  }
0x8d: {  	s2 =	sadd.s32 s2, s17  }
0x8e: {  	[smem:$0x3FC2] =	sst s2  }
0x8f: {  	_ = 	snop  }
0x90: {  	s2 =	sld [smem:$0x3FD0];
	(tm) =	ssettm $0x1  }
0x91: {  	s18 =	sld [smem:$0x3FFB];
	_ =	sdelay $0x3  }
0x92: {  	_ =	strace s18  }
0x93: {  	s3 =	sld [smem:$0x3FFC];
	_ =	sdelay $0x3  }
0x94: {  	_ =	strace s3  }
0x95: {  	s3 =	sld [smem:$0x3FFD];
	_ =	sdelay $0x3  }
0x96: {  	_ =	strace s3  }
0x97: {  	_ =	strace $0x8FFFFFFF  }
0x98: {  	s19 =	sld [smem:$0x3FDB];
	_ =	sdelay $0x1  }
0x99: {  	s4 =	simm.s32 $_scs_section_size  }
0x9a: {  	s5 =	simm.s32 $_size__tile_overlayer_lowered;
	s6 =	simm.s32 $_tile_overlayer_lowered  }
0x9b: {  	s22 =	simm.s32 $0x1BFF;
	s21 =	sshll.u32 s6, $0x1;
	s3 =	sadd.s32 s4, s19  }
0x9c: {  	s7 =	simm.s32 $0x0;
	s20 =	sshll.u32 s5, $0x1;
	s5 =	sadd.s32 s21, s3  }
0x9d: {  	[timem:s7], [sflag:s22] =	dma.local [hbm:s5], s20  }
0x9e: {  	_ =	swait.ge [sflag:s22], s20  }
0x9f: {  	s4 =	ssub.s32 $0x0, s20;
	[sflag:s22] =	ssyncset.done $0x0  }
0xa0: {  	[sflag:s22] =	ssyncadd.s32 s4;
	_ =	sdelay $0x1  }
0xa1: {  	s23 =	simm.s32 $0x1B8B  }
0xa2: {  	_ =	swait.ge [sflag:s23], $0x1  }
0xa3: {  	[sflag:s23] =	ssyncset.done $0x0  }
0xa4: {  	s25 =	simm.s32 $0x1B8E;
	s24 =	sld [smem:$0x3FFE];
	[sflag:s23] =	ssyncadd.s32 $0xFFFFFFFF  }
0xa5: {  	s26 =	simm.s32 $execute0_lowered;
	[smem:$0x3FD2] =	sst s25  }
0xa6: {  	s5 =	sshll.u32 s26, $0x1;
	_ =	strace $0x80000046;
	[dreg:$0x1] =	wrdreg $0xFFFFFFFF  }
0xa7: {  	s28 =	simm.s32 $_size_execute0_lowered;
	s3 =	sadd.s32 s3, s5;
	[dreg:$0x0] =	wrdreg $0x0  }
0xa8: {  	s5 =	sshll.u32 s28, $0x1;
	[dreg:$0x2] =	wrdreg s3  }
0xa9: {  	[dreg:$0x3] =	wrdreg s5  }
0xaa: {  	[dreg:$0x4] =	wrdreg $0xC0  }
0xab: {  	_ =	task [dreg:s7], $0x5FFFF  }
0xac: {  	[dreg:$0x1] =	wrdreg $0xFFFFFFFF  }
0xad: {  	[dreg:$0x0] =	wrdreg $0x60  }
0xae: {  	[dreg:$0x2] =	wrdreg s2  }
0xaf: {  	[dreg:$0x3] =	wrdreg s24  }
0xb0: {  	[dreg:$0x4] =	wrdreg $0x41800  }
0xb1: {  	[dreg:$0x5] =	wrdreg $0x9  }
0xb2: {  	_ =	task.clear_ibuf [dreg:s7], $0x6FFFF;
	_ =	strace $0x90000046  }
0xb3: {  	s29 =	simm.s32 $0x9;
	_ =	strace $0x80000048  }
0xb4: {  	_ =	swait.ge [sflag:s29], $0x1  }
0xb5: {  	[sflag:s29] =	ssyncadd.s32 $0xFFFFFFFF  }
0xb6: {  	_ =	strace $0x90000048  }
0xb7: {  	_ =	sfence  }
0xb8: {  	s30 =	sld [smem:$0x0];
	_ =	sdelay $0x2  }
0xb9: {  	s31 =	sshll.u32 s1, $0xD;
	s1 =	sshrl.u32 s1, $0x2  }
0xba: {  	s3 =	sand.u32 $0x4000, s31;
	s1 =	sadd.s32 s1, s30  }
0xbb: {  	s0 =	sor.u32 s3, s0;
	s1 =	sshll.u32 s1, $0x11  }
0xbc: {  	s0 =	sor.u32 s1, s0  }
0xbd: {  	s0 =	sadd.s32 $0x8F2B, s0  }
0xbe: {  	[sflag:s0] =	ssyncadd.remote.s32 $0x1  }
0xbf: {  	_ =	sfence.sel $0xFFFF  }
0xc0: {  	[dreg:$0x0] =	wrdreg $0xFFFFFFFF;
	(pc) =	sbr.abs _section_cstart, $3  }
0xc1: {  	[dreg:$0x1] =	wrdreg $0xFFFFFFFF  }
0xc2: {  	_ =	task.clear_ibuf [dreg:s7], $0x2FFFF;
	_ =	strace $0x9FFFFFFF  }
0xc3: {  	(tm) =	ssettm $0x7FFFFFFF  }
tec
execute0_lowered:
.L_overlay_start_1:
0x0: {  	(tag) =	ssettag $0x1  }
0x1: {  	s5 =	rddreg [dreg:$0x0]  }
0x2: {  	s4 =	rddreg [dreg:$0x1]  }
0x3: {  	s2 =	rddreg [dreg:$0x2]  }
0x4: {  	s0 =	rddreg [dreg:$0x3];
	s6 =	srdreg.scid  }
0x5: {  	s1 =	stileid.u32;
	s3 =	simm.s32 $0x0;
	s11 =	simm.s32 $0x3E80  }
0x6: {  	s12 =	simm.s32 $0x1;
	s15 =	simm.s32 $0x20;
	s16 =	simm.s32 $0x10  }
0x7: {  	s17 =	simm.s32 $0x0;
	s6 =	sand.u32 $0x1, s6;
	s7 =	smul.u32 $0x500, s1  }
0x8: {  	[smem:$0x7FF] =	sst s3;
	s29 =	sshll.u32 s1, $0x1;
	s30 =	smul.u32 $0xA00, s1  }
0x9: {  	s13 =	sshll.u32 s1, $0x6;
	s8 =	sshll.u32 s6, $0x7;
	_ =	strace $0x80000047  }
0xa: {  	s9 =	ssub.s32 $0x2, s6;
	s6 =	sor.u32 s6, s29;
	s13 =	sor.u32 $0x1C02, s13  }
0xb: {  	s7 =	sor.u32 s8, s7;
	s10 =	sshrl.u32 s9, $0x1;
	s6 =	smul.u32 $0x7D0, s6  }
0xc: {  	s31 =	sshrl.u32 s30, $0x2;
	s8 =	simm.s32 $0x3F00;
	s7 =	sshrl.u32 s7, $0x3  }
0xd: {  	s9 =	ssub.s32 s9, s10;
	s10 =	simm.s32 $0x50;
	s7 =	sadd.s32 s7, s4  }
0xe: {  	s4 =	sadd.s32 s31, s2;
	s5 =	sadd.s32 s5, s6;
	s6 =	sadd.s32 $0xBE00, s7  }
0xf: {  	v0 =	vimm.f32 $1.000000000e+00;
	v1 =	vimm.f32 $0.0e+00;
	s7 =	smax.u32 s9, $0x1;
	s9 =	simm.s32 $0x2;
	s14 =	sshrl.u32 s4, $0x3  }
.LBB2_1:
0x10: {  	[tilespmem:$0x3E80] =	vst v0  }
0x11: {  	[tilespmem:$0x3E90] =	vst v0  }
0x12: {  	[tilespmem:$0x3EA0] =	vst v0  }
0x13: {  	[tilespmem:$0x3EB0] =	vst v0  }
0x14: {  	[tilespmem:$0x3EC0] =	vst v0  }
0x15: {  	[tilespmem:$0x3F00] =	vst v1  }
0x16: {  	[tilespmem:$0x3F10] =	vst v1  }
0x17: {  	[tilespmem:$0x3F20] =	vst v1  }
0x18: {  	[tilespmem:$0x3F30] =	vst v1  }
0x19: {  	[tilespmem:$0x3F40] =	vst v1  }
0x1a: {  	[tilespmem:$0x3F50] =	vst v1  }
0x1b: {  	[tilespmem:$0x3F60] =	vst v1  }
0x1c: {  	[tilespmem:$0x3F70] =	vst v1  }
0x1d: {  	[tilespmem:$0x3F80] =	vst v1  }
0x1e: {  	[tilespmem:$0x3F90] =	vst v1  }
0x1f: {  	[tilespmem:$0x3FA0] =	vst v1  }
0x20: {  	[tilespmem:$0x3FB0] =	vst v1  }
0x21: {  	[tilespmem:$0x3FC0] =	vst v1  }
0x22: {  	[tilespmem:$0x3FD0] =	vst v1  }
0x23: {  	[tilespmem:$0x3FE0] =	vst v1  }
0x24: {  	[tilespmem:$0x3FF0] =	vst v1  }
0x25: {  	[tilespmem:$0x4000] =	vst v1  }
0x26: {  	[tilespmem:$0x4010] =	vst v1  }
0x27: {  	[tilespmem:$0x4020] =	vst v1  }
0x28: {  	[tilespmem:$0x4030] =	vst v1  }
0x29: {  	[tilespmem:$0x4040] =	vst v1  }
0x2a: {  	[tilespmem:$0x4050] =	vst v1  }
0x2b: {  	[tilespmem:$0x4060] =	vst v1  }
0x2c: {  	[tilespmem:$0x4070] =	vst v1  }
0x2d: {  	[tilespmem:$0x4080] =	vst v1  }
0x2e: {  	[tilespmem:$0x4090] =	vst v1  }
0x2f: {  	[tilespmem:$0x40A0] =	vst v1  }
0x30: {  	[tilespmem:$0x40B0] =	vst v1  }
0x31: {  	[tilespmem:$0x40C0] =	vst v1  }
0x32: {  	[tilespmem:$0x40D0] =	vst v1  }
0x33: {  	[tilespmem:$0x40E0] =	vst v1  }
0x34: {  	[tilespmem:$0x40F0] =	vst v1  }
0x35: {  	[tilespmem:$0x4100] =	vst v1  }
0x36: {  	[tilespmem:$0x4110] =	vst v1  }
0x37: {  	[tilespmem:$0x4120] =	vst v1  }
0x38: {  	[tilespmem:$0x4130] =	vst v1  }
0x39: {  	[tilespmem:$0x4140] =	vst v1  }
0x3a: {  	[tilespmem:$0x4150] =	vst v1  }
0x3b: {  	[tilespmem:$0x4160] =	vst v1  }
0x3c: {  	[tilespmem:$0x4170] =	vst v1  }
0x3d: {  	[spmem:s4] =	stream.linear.scatter [tilespmem:s8], [sflag:$0x2], $0x280, $0x38;
	[tilespmem:$0x4400] =	vst v63  }
0x3e: {  	_ =	swait.ge [sflag:s9], $0x280  }
0x3f: {  	[sflag:s9] =	ssyncset.done $0x0  }
0x40: {  	[sflag:s9] =	ssyncadd.s32 $0xFFFFFD80  }
0x41: {  	[tilespmem:s3], [sflag:$0x2] =	stream.linear.gather [hbm4b:s5+s3], $0x3E80, $0x38;
	[tilespmem:$0x4400] =	vst v63  }
0x42: {  	_ =	swait.ge [sflag:s9], $0x3E80  }
0x43: {  	[sflag:s9] =	ssyncset.done $0x0  }
0x44: {  	[sflag:s9] =	ssyncadd.s32 $0xFFFFC180  }
0x45: {  	s18 =	simm.s32 $0x0;
	[bflag:$0x0] =	sbarrier.arrive $0xFFFF  }
.LBB2_2:
0x46: {  	p0 =	sne.s32 s18, $0xF800  }
.Ltmp0:
0x47: {  	_ = 	snop;
	(pc) =	sbr.rel @p0 .LBB2_2-.Ltmp0, $3  }
0x48: {  	_ =	sdelay $0x1  }
0x49: {  	s19 =	sshra.s32 s18, $0x2;
	s18 =	sadd.s32 $0x200, s18  }
0x4a: {  	[spmem:s2] =	stream.indirect.scatter.add.f32 [tilespmem:s11], [sflag:$0x1], $0x1, s19, s10, $0xb8;
	[tilespmem:$0x4400] =	vst v63  }
0x4b: {  	_ =	swait.ge [sflag:s12], $0x50  }
0x4c: {  	s18 =	simm.s32 $0x7C;
	[sflag:s12] =	ssyncset.done $0x0  }
.LBB2_4:
0x4d: {  	p0 =	sne.s32 s18, $0x1;
	s18 =	sadd.s32 $0xFFFFFFFF, s18;
	[sflag:s12] =	ssyncadd.s32 $0xFFFFFFB0  }
.Ltmp1:
0x4e: {  	(pc) =	sbr.rel @p0 .LBB2_4-.Ltmp1, $3  }
0x4f: {  	_ =	sdelay $0x1  }
0x50: {  	_ =	swait.ge [sflag:s12], $0x50  }
0x51: {  	[sflag:s12] =	ssyncset.done $0x0  }
0x52: {  	s17 =	sadd.s32 $0x1, s17  }
0x53: {  	[sflag:s12] =	ssyncadd.s32 $0xFFFFFFB0;
	p0 =	sne.s32 s17, s7  }
.Ltmp2:
0x54: {  	[bflag:$0x0] =	sbarrier.arrive $0xFFFF;
	(pc) =	sbr.rel @p0 .LBB2_1-.Ltmp2, $4  }
0x55: {  	[hbm:s6@s15], [sflag:s13] =	dma.strided [spmem:s14@s16], $0x50, s12, $0x10   }
0x56: {  	_ =	swait.ge [sflag:s9], $0x50  }
0x57: {  	[sflag:s9] =	ssyncset.done $0x0  }
0x58: {  	[sflag:s9] =	ssyncadd.s32 $0xFFFFFFB0  }
0x59: {  	_ =	sfence.sel $0x180000  }
0x5a: {  	[bflag:$0x0] =	sbarrier.arrive $0xFFFF  }
0x5b: {  	p0 =	sne.s32 s1, $0x0;
	_ =	strace $0x90000047  }
0x5c: {  	s0 =	sadd.s32 @!p0 $0x100000, s0;
	[bflag:$0x2] =	sbarrier.arrive $0xFFFF  }
0x5d: {  	[sflag:s0] =	ssyncadd.tile.s32 @!p0 $0x1;
	_ =	shalt  }
.Lfunc_end2:
_tile_overlayer_lowered:
.L_overlay_start_2:
0x5e: {  	(tag) =	ssettag $0x2  }
0x5f: {  	s0 =	rddreg [dreg:$0x0];
	s2 =	stileid.u32  }
0x60: {  	s1 =	rddreg [dreg:$0x1];
	p0 =	sne.s32 s2, $0x0  }
0x61: {  	s3 =	rddreg [dreg:$0x2];
	[bflag:$0x3] =	sbarrier.arrive $0xFFFF;
	s2 =	simm.s32 @!p0 $0x1C02  }
0x62: {  	[timem:s3], [sflag:s2] =	dma.local @!p0 [hbm:s0], s1  }
0x63: {  	s0 =	simm.s32 @!p0 $0x2  }
0x64: {  	_ =	swait.ge @!p0 [sflag:s0], s1  }
0x65: {  	s1 =	ssub.s32 @!p0 $0x0, s1;
	[sflag:s0] =	ssyncset.done @!p0 $0x0  }
0x66: {  	[sflag:s0] =	ssyncadd.s32 @!p0 s1  }
0x67: {  	[bflag:$0x3] =	sbarrier.arrive $0xFFFF  }
0x68: {  	_ =	shalt  }

</sc_bundles>
